<compile_context>
chip_gen: v7x
topology: tpu7x:2x2x1
jax: 0.10.2.dev20260603
libtpu: 0.0.44.dev20260713+nightly
codegen_flags: <defaults>
</compile_context>

<pallas_src>
import functools

import jax
import jax.numpy as jnp
from jax import lax
from jax.experimental import pallas as pl
from jax.experimental.pallas import tpu as pltpu
from jax.experimental.pallas import tpu_sc as plsc

NC = 2
NS = 16
NW = NC * NS
CHB = 1000
R0_NUM, R0_DEN = 9, 20

_MESH = plsc.VectorSubcoreMesh(core_axis_name="c", subcore_axis_name="s")
_PREC = jax.lax.Precision.DEFAULT
_NOTC = pltpu.CompilerParams(use_tc_tiling_on_sc=False)


def _deg_kernel_factory(rows_w, np_, wcols):

    @functools.partial(
        pl.kernel,
        mesh=_MESH,
        out_type=jax.ShapeDtypeStruct((NC, np_, wcols), jnp.float32),
        scratch_types=[
            pltpu.VMEM((rows_w * CHB,), jnp.int32),
            pltpu.VMEM((CHB, wcols), jnp.float32),
            pltpu.VMEM_SHARED((np_, wcols), jnp.float32),
        ],
        compiler_params=_NOTC,
    )
    def deg_kernel(ei_hbm, ones_hbm, zeros_hbm, out_hbm, idx_v, ones_v, acc):
        c = lax.axis_index("c")
        s = lax.axis_index("s")
        w = s * NC + c
        rpz = np_ // NS
        r0 = s * rpz
        base = w * (rows_w * CHB)
        pltpu.sync_copy(zeros_hbm.at[pl.ds(r0, rpz)], acc.at[pl.ds(r0, rpz)])
        pltpu.sync_copy(ones_hbm, ones_v)
        pltpu.sync_copy(ei_hbm.at[1, pl.ds(base, rows_w * CHB)], idx_v)
        plsc.subcore_barrier()

        @pl.loop(0, rows_w)
        def _(j):
            pltpu.sync_copy(ones_v, acc.at[idx_v.at[pl.ds(j * CHB, CHB)]],
                            add=True)

        plsc.subcore_barrier()
        pltpu.sync_copy(acc.at[pl.ds(r0, rpz)], out_hbm.at[c, pl.ds(r0, rpz)])

    return deg_kernel


def _agg_kernel_factory(r0_rows, r1_rows, np_, h):
    rmax = max(r0_rows, r1_rows)

    @functools.partial(
        pl.kernel,
        mesh=_MESH,
        out_type=jax.ShapeDtypeStruct((NC, np_, h), jnp.float32),
        scratch_types=[
            pltpu.VMEM((rmax * CHB,), jnp.int32),
            pltpu.VMEM((rmax * CHB,), jnp.int32),
            pltpu.VMEM((CHB, h), jnp.float32),
            pltpu.VMEM_SHARED((np_, h), jnp.float32),
        ],
        compiler_params=_NOTC,
    )
    def agg_kernel(hp_hbm, ei_hbm, zeros_hbm, out_hbm,
                   src_v, dst_v, msg_v, acc):
        c = lax.axis_index("c")
        s = lax.axis_index("s")
        rpz = np_ // NS
        r0 = s * rpz
        pltpu.sync_copy(zeros_hbm.at[pl.ds(r0, rpz)], acc.at[pl.ds(r0, rpz)])

        def load_run(rows, base):
            pltpu.sync_copy(ei_hbm.at[0, pl.ds(base, rows * CHB)],
                            src_v.at[pl.ds(0, rows * CHB)])
            pltpu.sync_copy(ei_hbm.at[1, pl.ds(base, rows * CHB)],
                            dst_v.at[pl.ds(0, rows * CHB)])

        def agg_run(rows):
            @pl.loop(0, rows)
            def _(j):
                pltpu.sync_copy(hp_hbm.at[src_v.at[pl.ds(j * CHB, CHB)]],
                                msg_v)
                pltpu.sync_copy(msg_v, acc.at[dst_v.at[pl.ds(j * CHB, CHB)]],
                                add=True)

        @pl.when(c == 0)
        def _():
            load_run(r0_rows, s * (r0_rows * CHB))

        @pl.when(c == 1)
        def _():
            load_run(r1_rows, NS * (r0_rows * CHB) + s * (r1_rows * CHB))

        plsc.subcore_barrier()

        @pl.when(c == 0)
        def _():
            agg_run(r0_rows)

        @pl.when(c == 1)
        def _():
            agg_run(r1_rows)

        plsc.subcore_barrier()
        pltpu.sync_copy(acc.at[pl.ds(r0, rpz)], out_hbm.at[c, pl.ds(r0, rpz)])

    return agg_kernel


def _matmul(x, w, br):
    n, d = x.shape
    h = w.shape[1]

    def body(x_ref, w_ref, o_ref):
        o_ref[...] = lax.dot_general(
            x_ref[...], w_ref[...], (((1,), (0,)), ((), ())),
            precision=_PREC, preferred_element_type=jnp.float32)

    return pl.pallas_call(
        body,
        grid=(n // br,),
        in_specs=[
            pl.BlockSpec((br, d), lambda i: (i, 0)),
            pl.BlockSpec((d, h), lambda i: (0, 0)),
        ],
        out_specs=pl.BlockSpec((br, h), lambda i: (i, 0)),
        out_shape=jax.ShapeDtypeStruct((n, h), jnp.float32),
    )(x, w)


def _deg_stats(dp_ref):
    deg = 1.0 + dp_ref[0, :, 0:1] + dp_ref[1, :, 0:1]
    return lax.rsqrt(deg), 1.0 / deg


def _scale(deg_parts, h1, br, wcols):
    n, h = h1.shape

    def body(dp_ref, h_ref, o_ref):
        dis, _ = _deg_stats(dp_ref)
        o_ref[...] = h_ref[...] * dis

    return pl.pallas_call(
        body,
        grid=(n // br,),
        in_specs=[
            pl.BlockSpec((NC, br, wcols), lambda i: (0, i, 0)),
            pl.BlockSpec((br, h), lambda i: (i, 0)),
        ],
        out_specs=pl.BlockSpec((br, h), lambda i: (i, 0)),
        out_shape=jax.ShapeDtypeStruct((n, h), jnp.float32),
    )(deg_parts, h1)


def _layer2(parts1, deg_parts, h1, b1, w2, br, wcols):
    n, h = h1.shape
    h2w = w2.shape[1]

    def body(p_ref, dp_ref, h1_ref, b1_ref, w2_ref, h2_ref, hp2_ref):
        dis, invd = _deg_stats(dp_ref)
        out1 = dis * (p_ref[0] + p_ref[1]) + h1_ref[...] * invd + b1_ref[...]
        a1 = jnp.maximum(out1, 0.0)
        h2 = lax.dot_general(a1, w2_ref[...], (((1,), (0,)), ((), ())),
                             precision=_PREC, preferred_element_type=jnp.float32)
        h2_ref[...] = h2
        hp2_ref[...] = h2 * dis

    return pl.pallas_call(
        body,
        grid=(n // br,),
        in_specs=[
            pl.BlockSpec((NC, br, h), lambda i: (0, i, 0)),
            pl.BlockSpec((NC, br, wcols), lambda i: (0, i, 0)),
            pl.BlockSpec((br, h), lambda i: (i, 0)),
            pl.BlockSpec((1, h), lambda i: (0, 0)),
            pl.BlockSpec((h, h2w), lambda i: (0, 0)),
        ],
        out_specs=[
            pl.BlockSpec((br, h2w), lambda i: (i, 0)),
            pl.BlockSpec((br, h2w), lambda i: (i, 0)),
        ],
        out_shape=[
            jax.ShapeDtypeStruct((n, h2w), jnp.float32),
            jax.ShapeDtypeStruct((n, h2w), jnp.float32),
        ],
    )(parts1, deg_parts, h1, b1, w2)


def _final(parts2, deg_parts, h2, b2, br, wcols):
    n, h = h2.shape

    def body(p_ref, dp_ref, h2_ref, b2_ref, o_ref):
        dis, invd = _deg_stats(dp_ref)
        o_ref[...] = (dis * (p_ref[0] + p_ref[1])
                      + h2_ref[...] * invd + b2_ref[...])

    return pl.pallas_call(
        body,
        grid=(n // br,),
        in_specs=[
            pl.BlockSpec((NC, br, h), lambda i: (0, i, 0)),
            pl.BlockSpec((NC, br, wcols), lambda i: (0, i, 0)),
            pl.BlockSpec((br, h), lambda i: (i, 0)),
            pl.BlockSpec((1, h), lambda i: (0, 0)),
        ],
        out_specs=pl.BlockSpec((br, h), lambda i: (i, 0)),
        out_shape=jax.ShapeDtypeStruct((n, h), jnp.float32),
    )(parts2, deg_parts, h2, b2)


def kernel(x, edge_index, W1, b1, W2, b2):
    n, d = x.shape
    e = edge_index.shape[1]
    h1w = W1.shape[1]
    h2w = W2.shape[1]

    br = 5000
    while n % br or br % 8:
        br -= 8
    np_ = (n + 1024) // 1024 * 1024
    wcols = 8

    e_pad = -(-e // (CHB * NW)) * (CHB * NW)
    ei = edge_index
    if e_pad != e:
        pad = jnp.stack([jnp.zeros((e_pad - e,), jnp.int32),
                         jnp.full((e_pad - e,), jnp.int32(n), jnp.int32)])
        ei = jnp.concatenate([edge_index, pad], axis=1)

    tr = e_pad // CHB
    rps = tr // NS
    r0_rows = max(1, rps * R0_NUM // R0_DEN)
    r1_rows = rps - r0_rows

    ones_img = jnp.ones((CHB, wcols), jnp.float32)
    zeros_w = jnp.zeros((np_, wcols), jnp.float32)
    zeros_h1 = jnp.zeros((np_, h1w), jnp.float32)
    zeros_h2 = jnp.zeros((np_, h2w), jnp.float32)

    deg_parts = _deg_kernel_factory(tr // NW, np_, wcols)(ei, ones_img,
                                                          zeros_w)
    h1 = _matmul(x, W1, br)
    hp1 = _scale(deg_parts, h1, br, wcols)
    parts1 = _agg_kernel_factory(r0_rows, r1_rows, np_, h1w)(hp1, ei, zeros_h1)
    h2, hp2 = _layer2(parts1, deg_parts, h1, b1.reshape(1, h1w), W2, br, wcols)
    parts2 = _agg_kernel_factory(r0_rows, r1_rows, np_, h2w)(hp2, ei, zeros_h2)
    out = _final(parts2, deg_parts, h2, b2.reshape(1, h2w), br, wcols)
    return out

# --- scband reference (transcript-rebuilt; emitter-appended) ---
"""Pipeline reference for scband-gnn-17592186044939 (READ-ONLY COPY).

The authoritative reference and input builder live on the scoring server;
editing this copy changes nothing except your own understanding.
"""

import jax, jax.numpy as jnp
import numpy as np

N = 10000
E = 320000
D = 128
H1 = 32
H2 = 16


def setup_inputs(seed: int = 0) -> dict:
    key = jax.random.key(seed)
    k1, k2, k3, k4, k5, k6 = jax.random.split(key, 6)
    x = jax.random.normal(k1, (N, D), dtype=jnp.float32)
    edge_index = jax.random.randint(k2, (2, E), 0, N, dtype=jnp.int32)
    W1 = jax.random.normal(k3, (D, H1), dtype=jnp.float32) * (1.0 / np.sqrt(D))
    b1 = jnp.zeros((H1,), dtype=jnp.float32)
    W2 = jax.random.normal(k4, (H1, H2), dtype=jnp.float32) * (1.0 / np.sqrt(H1))
    b2 = jnp.zeros((H2,), dtype=jnp.float32)
    return {"x": x, "edge_index": edge_index, "W1": W1, "b1": b1, "W2": W2, "b2": b2}


def gcn_layer(x, edge_index, W, b):
    # GCNConv: add self-loops, symmetric normalization D^{-1/2} (A+I) D^{-1/2} X W + b
    n = x.shape[0]
    src = edge_index[0]
    dst = edge_index[1]
    loop = jnp.arange(n, dtype=src.dtype)
    src = jnp.concatenate([src, loop])
    dst = jnp.concatenate([dst, loop])
    deg = jnp.zeros((n,), dtype=x.dtype).at[dst].add(1.0)
    deg_inv_sqrt = jnp.where(deg > 0, deg ** -0.5, 0.0)
    norm = deg_inv_sqrt[src] * deg_inv_sqrt[dst]
    h = x @ W
    msg = h[src] * norm[:, None]
    out = jnp.zeros((n, W.shape[1]), dtype=x.dtype).at[dst].add(msg)
    return out + b


def reference(x, edge_index, W1, b1, W2, b2):
    h = jax.nn.relu(gcn_layer(x, edge_index, W1, b1))
    out = gcn_layer(h, edge_index, W2, b2)
    return out

if __name__ == "__main__":
    import jax
    _d = setup_inputs()
    print(jax.jit(kernel)(*tuple(_d.values())))

</pallas_src>

<mosaic_0001>
#map = affine_map<(d0, d1) -> (0, 0)>
#map1 = affine_map<(d0, d1) -> (0, 0, 0)>
module attributes {stable_mosaic.version = 14 : i64} {
  func.func @agg_kernel(%arg0: i32, %arg1: i32, %arg2: memref<10000x16xf32, #tpu.memory_space<hbm>>, %arg3: memref<2x320000xi32, #tpu.memory_space<hbm>>, %arg4: memref<10240x16xf32, #tpu.memory_space<hbm>>, %arg5: memref<2x10240x16xf32, #tpu.memory_space<hbm>>, %arg6: memref<11000xi32, #tpu.memory_space<vmem>>, %arg7: memref<11000xi32, #tpu.memory_space<vmem>>, %arg8: memref<1000x16xf32, #tpu.memory_space<vmem>>, %arg9: memref<10240x16xf32, #tpu.memory_space<vmem_shared>>) attributes {dimension_semantics = [#tpu.dimension_semantics<core_parallel>, #tpu.dimension_semantics<subcore_parallel>], iteration_bounds = array<i64: 2, 16>, scalar_prefetch = 0 : i64, scratch_operands = 4 : i64, tpu.core_type = #tpu.core_type<sc_vector_subcore>, window_params = [{transform_indices = #map}, {transform_indices = #map}, {transform_indices = #map}, {transform_indices = #map1}]} {
    %mul3A = arith.constant 640 : i32
    %mul3A_0 = arith.muli %arg1, %mul3A : i32
    "tpu.region"() ({
      %run_scoped3A = tpu.sem_alloc : memref<!tpu.dma_semaphore, #tpu.memory_space<semaphore_mem>>
      %dma_start3A = arith.constant 0 : i32
      %dma_start3A_19 = tpu.memref_slice %arg9[%mul3A_0, %dma_start3A] : memref<10240x16xf32, #tpu.memory_space<vmem_shared>> -> memref<640x16xf32, #tpu.memory_space<vmem_shared>>
      %dma_start3A_20 = arith.constant 0 : i32
      %dma_start3A_21 = tpu.memref_slice %arg4[%mul3A_0, %dma_start3A_20] : memref<10240x16xf32, #tpu.memory_space<hbm>> -> memref<640x16xf32, #tpu.memory_space<hbm>>
      tpu.enqueue_dma source(%dma_start3A_21 : memref<640x16xf32, #tpu.memory_space<hbm>>) target(%dma_start3A_19 : memref<640x16xf32, #tpu.memory_space<vmem_shared>>) target_semaphore(%run_scoped3A : memref<!tpu.dma_semaphore, #tpu.memory_space<semaphore_mem>>)
      %dma_wait3A = arith.constant 0 : i32
      %dma_wait3A_22 = tpu.memref_slice %arg9[%mul3A_0, %dma_wait3A] : memref<10240x16xf32, #tpu.memory_space<vmem_shared>> -> memref<640x16xf32, #tpu.memory_space<vmem_shared>>
      %dma_wait3A_23 = arith.constant 0 : i32
      %dma_wait3A_24 = tpu.memref_slice %arg4[%mul3A_0, %dma_wait3A_23] : memref<10240x16xf32, #tpu.memory_space<hbm>> -> memref<640x16xf32, #tpu.memory_space<hbm>>
      tpu.wait_dma2 semaphore(%run_scoped3A : memref<!tpu.dma_semaphore, #tpu.memory_space<semaphore_mem>>) src(%dma_wait3A_24 : memref<640x16xf32, #tpu.memory_space<hbm>>) dst(%dma_wait3A_22 : memref<640x16xf32, #tpu.memory_space<vmem_shared>>)
      tpu.yield
    }) : () -> ()
    %eq3A = arith.constant 0 : i32
    %eq3A_1 = arith.cmpi eq, %arg0, %eq3A : i32
    %convert_element_type3A = arith.extui %eq3A_1 : i1 to i32
    %cond3A = arith.constant 0 : i32
    %cond3A_2 = arith.cmpi ne, %convert_element_type3A, %cond3A : i32
    scf.if %cond3A_2 {
      %mul3A_19 = arith.constant 9000 : i32
      %mul3A_20 = arith.muli %arg1, %mul3A_19 : i32
      %run_scoped3A = arith.constant 0 : i32
      "tpu.region"() ({
        %run_scoped3A_22 = tpu.sem_alloc : memref<!tpu.dma_semaphore, #tpu.memory_space<semaphore_mem>>
        %dma_start3A = arith.constant 0 : i32
        %dma_start3A_23 = tpu.memref_slice %arg6[%dma_start3A] : memref<11000xi32, #tpu.memory_space<vmem>> -> memref<9000xi32, #tpu.memory_space<vmem>>
        %dma_start3A_24 = tpu.memref_slice %arg3[%run_scoped3A, %mul3A_20] : memref<2x320000xi32, #tpu.memory_space<hbm>> -> memref<1x9000xi32, #tpu.memory_space<hbm>>
        %dma_start3A_25 = tpu.memref_squeeze %dma_start3A_24 : memref<1x9000xi32, #tpu.memory_space<hbm>> -> memref<9000xi32, #tpu.memory_space<hbm>>
        %dma_start3A_26 = arith.constant 0 : i32
        %dma_start3A_27 = tpu.memref_slice %arg6[%dma_start3A_26] : memref<11000xi32, #tpu.memory_space<vmem>> -> memref<9000xi32, #tpu.memory_space<vmem>>
        %dma_start3A_28 = tpu.memref_slice %arg3[%run_scoped3A, %mul3A_20] : memref<2x320000xi32, #tpu.memory_space<hbm>> -> memref<1x9000xi32, #tpu.memory_space<hbm>>
        %dma_start3A_29 = tpu.memref_squeeze %dma_start3A_28 : memref<1x9000xi32, #tpu.memory_space<hbm>> -> memref<9000xi32, #tpu.memory_space<hbm>>
        tpu.enqueue_dma source(%dma_start3A_29 : memref<9000xi32, #tpu.memory_space<hbm>>) target(%dma_start3A_27 : memref<9000xi32, #tpu.memory_space<vmem>>) target_semaphore(%run_scoped3A_22 : memref<!tpu.dma_semaphore, #tpu.memory_space<semaphore_mem>>)
        %dma_wait3A = arith.constant 0 : i32
        %dma_wait3A_30 = tpu.memref_slice %arg6[%dma_wait3A] : memref<11000xi32, #tpu.memory_space<vmem>> -> memref<9000xi32, #tpu.memory_space<vmem>>
        %dma_wait3A_31 = tpu.memref_slice %arg3[%run_scoped3A, %mul3A_20] : memref<2x320000xi32, #tpu.memory_space<hbm>> -> memref<1x9000xi32, #tpu.memory_space<hbm>>
        %dma_wait3A_32 = tpu.memref_squeeze %dma_wait3A_31 : memref<1x9000xi32, #tpu.memory_space<hbm>> -> memref<9000xi32, #tpu.memory_space<hbm>>
        %dma_wait3A_33 = arith.constant 0 : i32
        %dma_wait3A_34 = tpu.memref_slice %arg6[%dma_wait3A_33] : memref<11000xi32, #tpu.memory_space<vmem>> -> memref<9000xi32, #tpu.memory_space<vmem>>
        %dma_wait3A_35 = tpu.memref_slice %arg3[%run_scoped3A, %mul3A_20] : memref<2x320000xi32, #tpu.memory_space<hbm>> -> memref<1x9000xi32, #tpu.memory_space<hbm>>
        %dma_wait3A_36 = tpu.memref_squeeze %dma_wait3A_35 : memref<1x9000xi32, #tpu.memory_space<hbm>> -> memref<9000xi32, #tpu.memory_space<hbm>>
        tpu.wait_dma2 semaphore(%run_scoped3A_22 : memref<!tpu.dma_semaphore, #tpu.memory_space<semaphore_mem>>) src(%dma_wait3A_36 : memref<9000xi32, #tpu.memory_space<hbm>>) dst(%dma_wait3A_34 : memref<9000xi32, #tpu.memory_space<vmem>>)
        tpu.yield
      }) : () -> ()
      %run_scoped3A_21 = arith.constant 1 : i32
      "tpu.region"() ({
        %run_scoped3A_22 = tpu.sem_alloc : memref<!tpu.dma_semaphore, #tpu.memory_space<semaphore_mem>>
        %dma_start3A = arith.constant 0 : i32
        %dma_start3A_23 = tpu.memref_slice %arg7[%dma_start3A] : memref<11000xi32, #tpu.memory_space<vmem>> -> memref<9000xi32, #tpu.memory_space<vmem>>
        %dma_start3A_24 = tpu.memref_slice %arg3[%run_scoped3A_21, %mul3A_20] : memref<2x320000xi32, #tpu.memory_space<hbm>> -> memref<1x9000xi32, #tpu.memory_space<hbm>>
        %dma_start3A_25 = tpu.memref_squeeze %dma_start3A_24 : memref<1x9000xi32, #tpu.memory_space<hbm>> -> memref<9000xi32, #tpu.memory_space<hbm>>
        %dma_start3A_26 = arith.constant 0 : i32
        %dma_start3A_27 = tpu.memref_slice %arg7[%dma_start3A_26] : memref<11000xi32, #tpu.memory_space<vmem>> -> memref<9000xi32, #tpu.memory_space<vmem>>
        %dma_start3A_28 = tpu.memref_slice %arg3[%run_scoped3A_21, %mul3A_20] : memref<2x320000xi32, #tpu.memory_space<hbm>> -> memref<1x9000xi32, #tpu.memory_space<hbm>>
        %dma_start3A_29 = tpu.memref_squeeze %dma_start3A_28 : memref<1x9000xi32, #tpu.memory_space<hbm>> -> memref<9000xi32, #tpu.memory_space<hbm>>
        tpu.enqueue_dma source(%dma_start3A_29 : memref<9000xi32, #tpu.memory_space<hbm>>) target(%dma_start3A_27 : memref<9000xi32, #tpu.memory_space<vmem>>) target_semaphore(%run_scoped3A_22 : memref<!tpu.dma_semaphore, #tpu.memory_space<semaphore_mem>>)
        %dma_wait3A = arith.constant 0 : i32
        %dma_wait3A_30 = tpu.memref_slice %arg7[%dma_wait3A] : memref<11000xi32, #tpu.memory_space<vmem>> -> memref<9000xi32, #tpu.memory_space<vmem>>
        %dma_wait3A_31 = tpu.memref_slice %arg3[%run_scoped3A_21, %mul3A_20] : memref<2x320000xi32, #tpu.memory_space<hbm>> -> memref<1x9000xi32, #tpu.memory_space<hbm>>
        %dma_wait3A_32 = tpu.memref_squeeze %dma_wait3A_31 : memref<1x9000xi32, #tpu.memory_space<hbm>> -> memref<9000xi32, #tpu.memory_space<hbm>>
        %dma_wait3A_33 = arith.constant 0 : i32
        %dma_wait3A_34 = tpu.memref_slice %arg7[%dma_wait3A_33] : memref<11000xi32, #tpu.memory_space<vmem>> -> memref<9000xi32, #tpu.memory_space<vmem>>
        %dma_wait3A_35 = tpu.memref_slice %arg3[%run_scoped3A_21, %mul3A_20] : memref<2x320000xi32, #tpu.memory_space<hbm>> -> memref<1x9000xi32, #tpu.memory_space<hbm>>
        %dma_wait3A_36 = tpu.memref_squeeze %dma_wait3A_35 : memref<1x9000xi32, #tpu.memory_space<hbm>> -> memref<9000xi32, #tpu.memory_space<hbm>>
        tpu.wait_dma2 semaphore(%run_scoped3A_22 : memref<!tpu.dma_semaphore, #tpu.memory_space<semaphore_mem>>) src(%dma_wait3A_36 : memref<9000xi32, #tpu.memory_space<hbm>>) dst(%dma_wait3A_34 : memref<9000xi32, #tpu.memory_space<vmem>>)
        tpu.yield
      }) : () -> ()
    } else {
    }
    %eq3A_3 = arith.constant 1 : i32
    %eq3A_4 = arith.cmpi eq, %arg0, %eq3A_3 : i32
    %convert_element_type3A_5 = arith.extui %eq3A_4 : i1 to i32
    %cond3A_6 = arith.constant 0 : i32
    %cond3A_7 = arith.cmpi ne, %convert_element_type3A_5, %cond3A_6 : i32
    scf.if %cond3A_7 {
      %mul3A_19 = arith.constant 11000 : i32
      %mul3A_20 = arith.muli %arg1, %mul3A_19 : i32
      %add3A = arith.constant 144000 : i32
      %add3A_21 = arith.addi %add3A, %mul3A_20 : i32
      %run_scoped3A = arith.constant 0 : i32
      "tpu.region"() ({
        %run_scoped3A_23 = tpu.sem_alloc : memref<!tpu.dma_semaphore, #tpu.memory_space<semaphore_mem>>
        %dma_start3A = arith.constant 0 : i32
        %dma_start3A_24 = tpu.memref_slice %arg6[%dma_start3A] : memref<11000xi32, #tpu.memory_space<vmem>> -> memref<11000xi32, #tpu.memory_space<vmem>>
        %dma_start3A_25 = tpu.memref_slice %arg3[%run_scoped3A, %add3A_21] : memref<2x320000xi32, #tpu.memory_space<hbm>> -> memref<1x11000xi32, #tpu.memory_space<hbm>>
        %dma_start3A_26 = tpu.memref_squeeze %dma_start3A_25 : memref<1x11000xi32, #tpu.memory_space<hbm>> -> memref<11000xi32, #tpu.memory_space<hbm>>
        %dma_start3A_27 = arith.constant 0 : i32
        %dma_start3A_28 = tpu.memref_slice %arg6[%dma_start3A_27] : memref<11000xi32, #tpu.memory_space<vmem>> -> memref<11000xi32, #tpu.memory_space<vmem>>
        %dma_start3A_29 = tpu.memref_slice %arg3[%run_scoped3A, %add3A_21] : memref<2x320000xi32, #tpu.memory_space<hbm>> -> memref<1x11000xi32, #tpu.memory_space<hbm>>
        %dma_start3A_30 = tpu.memref_squeeze %dma_start3A_29 : memref<1x11000xi32, #tpu.memory_space<hbm>> -> memref<11000xi32, #tpu.memory_space<hbm>>
        tpu.enqueue_dma source(%dma_start3A_30 : memref<11000xi32, #tpu.memory_space<hbm>>) target(%dma_start3A_28 : memref<11000xi32, #tpu.memory_space<vmem>>) target_semaphore(%run_scoped3A_23 : memref<!tpu.dma_semaphore, #tpu.memory_space<semaphore_mem>>)
        %dma_wait3A = arith.constant 0 : i32
        %dma_wait3A_31 = tpu.memref_slice %arg6[%dma_wait3A] : memref<11000xi32, #tpu.memory_space<vmem>> -> memref<11000xi32, #tpu.memory_space<vmem>>
        %dma_wait3A_32 = tpu.memref_slice %arg3[%run_scoped3A, %add3A_21] : memref<2x320000xi32, #tpu.memory_space<hbm>> -> memref<1x11000xi32, #tpu.memory_space<hbm>>
        %dma_wait3A_33 = tpu.memref_squeeze %dma_wait3A_32 : memref<1x11000xi32, #tpu.memory_space<hbm>> -> memref<11000xi32, #tpu.memory_space<hbm>>
        %dma_wait3A_34 = arith.constant 0 : i32
        %dma_wait3A_35 = tpu.memref_slice %arg6[%dma_wait3A_34] : memref<11000xi32, #tpu.memory_space<vmem>> -> memref<11000xi32, #tpu.memory_space<vmem>>
        %dma_wait3A_36 = tpu.memref_slice %arg3[%run_scoped3A, %add3A_21] : memref<2x320000xi32, #tpu.memory_space<hbm>> -> memref<1x11000xi32, #tpu.memory_space<hbm>>
        %dma_wait3A_37 = tpu.memref_squeeze %dma_wait3A_36 : memref<1x11000xi32, #tpu.memory_space<hbm>> -> memref<11000xi32, #tpu.memory_space<hbm>>
        tpu.wait_dma2 semaphore(%run_scoped3A_23 : memref<!tpu.dma_semaphore, #tpu.memory_space<semaphore_mem>>) src(%dma_wait3A_37 : memref<11000xi32, #tpu.memory_space<hbm>>) dst(%dma_wait3A_35 : memref<11000xi32, #tpu.memory_space<vmem>>)
        tpu.yield
      }) : () -> ()
      %run_scoped3A_22 = arith.constant 1 : i32
      "tpu.region"() ({
        %run_scoped3A_23 = tpu.sem_alloc : memref<!tpu.dma_semaphore, #tpu.memory_space<semaphore_mem>>
        %dma_start3A = arith.constant 0 : i32
        %dma_start3A_24 = tpu.memref_slice %arg7[%dma_start3A] : memref<11000xi32, #tpu.memory_space<vmem>> -> memref<11000xi32, #tpu.memory_space<vmem>>
        %dma_start3A_25 = tpu.memref_slice %arg3[%run_scoped3A_22, %add3A_21] : memref<2x320000xi32, #tpu.memory_space<hbm>> -> memref<1x11000xi32, #tpu.memory_space<hbm>>
        %dma_start3A_26 = tpu.memref_squeeze %dma_start3A_25 : memref<1x11000xi32, #tpu.memory_space<hbm>> -> memref<11000xi32, #tpu.memory_space<hbm>>
        %dma_start3A_27 = arith.constant 0 : i32
        %dma_start3A_28 = tpu.memref_slice %arg7[%dma_start3A_27] : memref<11000xi32, #tpu.memory_space<vmem>> -> memref<11000xi32, #tpu.memory_space<vmem>>
        %dma_start3A_29 = tpu.memref_slice %arg3[%run_scoped3A_22, %add3A_21] : memref<2x320000xi32, #tpu.memory_space<hbm>> -> memref<1x11000xi32, #tpu.memory_space<hbm>>
        %dma_start3A_30 = tpu.memref_squeeze %dma_start3A_29 : memref<1x11000xi32, #tpu.memory_space<hbm>> -> memref<11000xi32, #tpu.memory_space<hbm>>
        tpu.enqueue_dma source(%dma_start3A_30 : memref<11000xi32, #tpu.memory_space<hbm>>) target(%dma_start3A_28 : memref<11000xi32, #tpu.memory_space<vmem>>) target_semaphore(%run_scoped3A_23 : memref<!tpu.dma_semaphore, #tpu.memory_space<semaphore_mem>>)
        %dma_wait3A = arith.constant 0 : i32
        %dma_wait3A_31 = tpu.memref_slice %arg7[%dma_wait3A] : memref<11000xi32, #tpu.memory_space<vmem>> -> memref<11000xi32, #tpu.memory_space<vmem>>
        %dma_wait3A_32 = tpu.memref_slice %arg3[%run_scoped3A_22, %add3A_21] : memref<2x320000xi32, #tpu.memory_space<hbm>> -> memref<1x11000xi32, #tpu.memory_space<hbm>>
        %dma_wait3A_33 = tpu.memref_squeeze %dma_wait3A_32 : memref<1x11000xi32, #tpu.memory_space<hbm>> -> memref<11000xi32, #tpu.memory_space<hbm>>
        %dma_wait3A_34 = arith.constant 0 : i32
        %dma_wait3A_35 = tpu.memref_slice %arg7[%dma_wait3A_34] : memref<11000xi32, #tpu.memory_space<vmem>> -> memref<11000xi32, #tpu.memory_space<vmem>>
        %dma_wait3A_36 = tpu.memref_slice %arg3[%run_scoped3A_22, %add3A_21] : memref<2x320000xi32, #tpu.memory_space<hbm>> -> memref<1x11000xi32, #tpu.memory_space<hbm>>
        %dma_wait3A_37 = tpu.memref_squeeze %dma_wait3A_36 : memref<1x11000xi32, #tpu.memory_space<hbm>> -> memref<11000xi32, #tpu.memory_space<hbm>>
        tpu.wait_dma2 semaphore(%run_scoped3A_23 : memref<!tpu.dma_semaphore, #tpu.memory_space<semaphore_mem>>) src(%dma_wait3A_37 : memref<11000xi32, #tpu.memory_space<hbm>>) dst(%dma_wait3A_35 : memref<11000xi32, #tpu.memory_space<vmem>>)
        tpu.yield
      }) : () -> ()
    } else {
    }
    %barrier3A = arith.constant 0 : index
    tpu.barrier barrier_id(%barrier3A)
    %eq3A_8 = arith.constant 0 : i32
    %eq3A_9 = arith.cmpi eq, %arg0, %eq3A_8 : i32
    %convert_element_type3A_10 = arith.extui %eq3A_9 : i1 to i32
    %cond3A_11 = arith.constant 0 : i32
    %cond3A_12 = arith.cmpi ne, %convert_element_type3A_10, %cond3A_11 : i32
    scf.if %cond3A_12 {
      %scan3A = arith.constant 0 : i32
      %scan3A_19 = arith.constant 9 : i32
      %scan3A_20 = arith.addi %scan3A, %scan3A_19 : i32
      %scan3A_21 = arith.constant 1 : i32
      scf.for %scan3A_23 = %scan3A to %scan3A_20 step %scan3A_21  : i32 {
        %mul3A_24 = arith.constant 1 : i32
        %mul3A_25 = arith.muli %scan3A_23, %mul3A_24 : i32
        %add3A = arith.constant 0 : i32
        %add3A_26 = arith.addi %add3A, %mul3A_25 : i32
        %mul3A_27 = arith.constant 1000 : i32
        %mul3A_28 = arith.muli %add3A_26, %mul3A_27 : i32
        "tpu.region"() ({
          %run_scoped3A = tpu.sem_alloc : memref<!tpu.dma_semaphore, #tpu.memory_space<semaphore_mem>>
          %dma_start3A = tpu.memref_slice %arg6[%mul3A_28] : memref<11000xi32, #tpu.memory_space<vmem>> -> memref<1000xi32, #tpu.memory_space<vmem>>
          %dma_start3A_31 = arith.constant 0 : i32
          %dma_start3A_32 = arith.constant 0 : i32
          %dma_start3A_33 = tpu.memref_slice %arg2[%dma_start3A_31, %dma_start3A_32] : memref<10000x16xf32, #tpu.memory_space<hbm>> -> memref<10000x16xf32, #tpu.memory_space<hbm>>
          tpu.enqueue_indirect_dma source(%dma_start3A_33 : memref<10000x16xf32, #tpu.memory_space<hbm>>) target(%arg8 : memref<1000x16xf32, #tpu.memory_space<vmem>>) offsets(%dma_start3A : memref<1000xi32, #tpu.memory_space<vmem>>) semaphore(%run_scoped3A : memref<!tpu.dma_semaphore, #tpu.memory_space<semaphore_mem>>)
          %dma_wait3A = tpu.memref_slice %arg6[%mul3A_28] : memref<11000xi32, #tpu.memory_space<vmem>> -> memref<1000xi32, #tpu.memory_space<vmem>>
          %dma_wait3A_34 = arith.constant 0 : i32
          %dma_wait3A_35 = arith.constant 0 : i32
          %dma_wait3A_36 = tpu.memref_slice %arg2[%dma_wait3A_34, %dma_wait3A_35] : memref<10000x16xf32, #tpu.memory_space<hbm>> -> memref<10000x16xf32, #tpu.memory_space<hbm>>
          tpu.wait_indirect_dma semaphore(%run_scoped3A : memref<!tpu.dma_semaphore, #tpu.memory_space<semaphore_mem>>) src(%dma_wait3A_36 : memref<10000x16xf32, #tpu.memory_space<hbm>>) dst(%arg8 : memref<1000x16xf32, #tpu.memory_space<vmem>>)
          tpu.yield
        }) : () -> ()
        %mul3A_29 = arith.constant 1000 : i32
        %mul3A_30 = arith.muli %add3A_26, %mul3A_29 : i32
        "tpu.region"() ({
          %run_scoped3A = tpu.sem_alloc : memref<!tpu.dma_semaphore, #tpu.memory_space<semaphore_mem>>
          %dma_start3A = tpu.memref_slice %arg7[%mul3A_30] : memref<11000xi32, #tpu.memory_space<vmem>> -> memref<1000xi32, #tpu.memory_space<vmem>>
          %dma_start3A_31 = arith.constant 0 : i32
          %dma_start3A_32 = arith.constant 0 : i32
          %dma_start3A_33 = tpu.memref_slice %arg9[%dma_start3A_31, %dma_start3A_32] : memref<10240x16xf32, #tpu.memory_space<vmem_shared>> -> memref<10240x16xf32, #tpu.memory_space<vmem_shared>>
          tpu.enqueue_indirect_dma source(%arg8 : memref<1000x16xf32, #tpu.memory_space<vmem>>) target(%dma_start3A_33 : memref<10240x16xf32, #tpu.memory_space<vmem_shared>>) offsets(%dma_start3A : memref<1000xi32, #tpu.memory_space<vmem>>) semaphore(%run_scoped3A : memref<!tpu.dma_semaphore, #tpu.memory_space<semaphore_mem>>) {add = true}
          %dma_wait3A = tpu.memref_slice %arg7[%mul3A_30] : memref<11000xi32, #tpu.memory_space<vmem>> -> memref<1000xi32, #tpu.memory_space<vmem>>
          %dma_wait3A_34 = arith.constant 0 : i32
          %dma_wait3A_35 = arith.constant 0 : i32
          %dma_wait3A_36 = tpu.memref_slice %arg9[%dma_wait3A_34, %dma_wait3A_35] : memref<10240x16xf32, #tpu.memory_space<vmem_shared>> -> memref<10240x16xf32, #tpu.memory_space<vmem_shared>>
          tpu.wait_indirect_dma semaphore(%run_scoped3A : memref<!tpu.dma_semaphore, #tpu.memory_space<semaphore_mem>>) src(%arg8 : memref<1000x16xf32, #tpu.memory_space<vmem>>) dst(%dma_wait3A_36 : memref<10240x16xf32, #tpu.memory_space<vmem_shared>>)
          tpu.yield
        }) : () -> ()
      }
      %scan3A_22 = arith.constant 9 : i32
    } else {
    }
    %eq3A_13 = arith.constant 1 : i32
    %eq3A_14 = arith.cmpi eq, %arg0, %eq3A_13 : i32
    %convert_element_type3A_15 = arith.extui %eq3A_14 : i1 to i32
    %cond3A_16 = arith.constant 0 : i32
    %cond3A_17 = arith.cmpi ne, %convert_element_type3A_15, %cond3A_16 : i32
    scf.if %cond3A_17 {
      %scan3A = arith.constant 0 : i32
      %scan3A_19 = arith.constant 11 : i32
      %scan3A_20 = arith.addi %scan3A, %scan3A_19 : i32
      %scan3A_21 = arith.constant 1 : i32
      scf.for %scan3A_23 = %scan3A to %scan3A_20 step %scan3A_21  : i32 {
        %mul3A_24 = arith.constant 1 : i32
        %mul3A_25 = arith.muli %scan3A_23, %mul3A_24 : i32
        %add3A = arith.constant 0 : i32
        %add3A_26 = arith.addi %add3A, %mul3A_25 : i32
        %mul3A_27 = arith.constant 1000 : i32
        %mul3A_28 = arith.muli %add3A_26, %mul3A_27 : i32
        "tpu.region"() ({
          %run_scoped3A = tpu.sem_alloc : memref<!tpu.dma_semaphore, #tpu.memory_space<semaphore_mem>>
          %dma_start3A = tpu.memref_slice %arg6[%mul3A_28] : memref<11000xi32, #tpu.memory_space<vmem>> -> memref<1000xi32, #tpu.memory_space<vmem>>
          %dma_start3A_31 = arith.constant 0 : i32
          %dma_start3A_32 = arith.constant 0 : i32
          %dma_start3A_33 = tpu.memref_slice %arg2[%dma_start3A_31, %dma_start3A_32] : memref<10000x16xf32, #tpu.memory_space<hbm>> -> memref<10000x16xf32, #tpu.memory_space<hbm>>
          tpu.enqueue_indirect_dma source(%dma_start3A_33 : memref<10000x16xf32, #tpu.memory_space<hbm>>) target(%arg8 : memref<1000x16xf32, #tpu.memory_space<vmem>>) offsets(%dma_start3A : memref<1000xi32, #tpu.memory_space<vmem>>) semaphore(%run_scoped3A : memref<!tpu.dma_semaphore, #tpu.memory_space<semaphore_mem>>)
          %dma_wait3A = tpu.memref_slice %arg6[%mul3A_28] : memref<11000xi32, #tpu.memory_space<vmem>> -> memref<1000xi32, #tpu.memory_space<vmem>>
          %dma_wait3A_34 = arith.constant 0 : i32
          %dma_wait3A_35 = arith.constant 0 : i32
          %dma_wait3A_36 = tpu.memref_slice %arg2[%dma_wait3A_34, %dma_wait3A_35] : memref<10000x16xf32, #tpu.memory_space<hbm>> -> memref<10000x16xf32, #tpu.memory_space<hbm>>
          tpu.wait_indirect_dma semaphore(%run_scoped3A : memref<!tpu.dma_semaphore, #tpu.memory_space<semaphore_mem>>) src(%dma_wait3A_36 : memref<10000x16xf32, #tpu.memory_space<hbm>>) dst(%arg8 : memref<1000x16xf32, #tpu.memory_space<vmem>>)
          tpu.yield
        }) : () -> ()
        %mul3A_29 = arith.constant 1000 : i32
        %mul3A_30 = arith.muli %add3A_26, %mul3A_29 : i32
        "tpu.region"() ({
          %run_scoped3A = tpu.sem_alloc : memref<!tpu.dma_semaphore, #tpu.memory_space<semaphore_mem>>
          %dma_start3A = tpu.memref_slice %arg7[%mul3A_30] : memref<11000xi32, #tpu.memory_space<vmem>> -> memref<1000xi32, #tpu.memory_space<vmem>>
          %dma_start3A_31 = arith.constant 0 : i32
          %dma_start3A_32 = arith.constant 0 : i32
          %dma_start3A_33 = tpu.memref_slice %arg9[%dma_start3A_31, %dma_start3A_32] : memref<10240x16xf32, #tpu.memory_space<vmem_shared>> -> memref<10240x16xf32, #tpu.memory_space<vmem_shared>>
          tpu.enqueue_indirect_dma source(%arg8 : memref<1000x16xf32, #tpu.memory_space<vmem>>) target(%dma_start3A_33 : memref<10240x16xf32, #tpu.memory_space<vmem_shared>>) offsets(%dma_start3A : memref<1000xi32, #tpu.memory_space<vmem>>) semaphore(%run_scoped3A : memref<!tpu.dma_semaphore, #tpu.memory_space<semaphore_mem>>) {add = true}
          %dma_wait3A = tpu.memref_slice %arg7[%mul3A_30] : memref<11000xi32, #tpu.memory_space<vmem>> -> memref<1000xi32, #tpu.memory_space<vmem>>
          %dma_wait3A_34 = arith.constant 0 : i32
          %dma_wait3A_35 = arith.constant 0 : i32
          %dma_wait3A_36 = tpu.memref_slice %arg9[%dma_wait3A_34, %dma_wait3A_35] : memref<10240x16xf32, #tpu.memory_space<vmem_shared>> -> memref<10240x16xf32, #tpu.memory_space<vmem_shared>>
          tpu.wait_indirect_dma semaphore(%run_scoped3A : memref<!tpu.dma_semaphore, #tpu.memory_space<semaphore_mem>>) src(%arg8 : memref<1000x16xf32, #tpu.memory_space<vmem>>) dst(%dma_wait3A_36 : memref<10240x16xf32, #tpu.memory_space<vmem_shared>>)
          tpu.yield
        }) : () -> ()
      }
      %scan3A_22 = arith.constant 11 : i32
    } else {
    }
    %barrier3A_18 = arith.constant 0 : index
    tpu.barrier barrier_id(%barrier3A_18)
    "tpu.region"() ({
      %run_scoped3A = tpu.sem_alloc : memref<!tpu.dma_semaphore, #tpu.memory_space<semaphore_mem>>
      %dma_start3A = arith.constant 0 : i32
      %dma_start3A_19 = tpu.memref_slice %arg5[%arg0, %mul3A_0, %dma_start3A] : memref<2x10240x16xf32, #tpu.memory_space<hbm>> -> memref<1x640x16xf32, #tpu.memory_space<hbm>>
      %dma_start3A_20 = tpu.memref_squeeze %dma_start3A_19 : memref<1x640x16xf32, #tpu.memory_space<hbm>> -> memref<640x16xf32, #tpu.memory_space<hbm>>
      %dma_start3A_21 = arith.constant 0 : i32
      %dma_start3A_22 = tpu.memref_slice %arg9[%mul3A_0, %dma_start3A_21] : memref<10240x16xf32, #tpu.memory_space<vmem_shared>> -> memref<640x16xf32, #tpu.memory_space<vmem_shared>>
      tpu.enqueue_dma source(%dma_start3A_22 : memref<640x16xf32, #tpu.memory_space<vmem_shared>>) target(%dma_start3A_20 : memref<640x16xf32, #tpu.memory_space<hbm>>) target_semaphore(%run_scoped3A : memref<!tpu.dma_semaphore, #tpu.memory_space<semaphore_mem>>)
      %dma_wait3A = arith.constant 0 : i32
      %dma_wait3A_23 = tpu.memref_slice %arg5[%arg0, %mul3A_0, %dma_wait3A] : memref<2x10240x16xf32, #tpu.memory_space<hbm>> -> memref<1x640x16xf32, #tpu.memory_space<hbm>>
      %dma_wait3A_24 = tpu.memref_squeeze %dma_wait3A_23 : memref<1x640x16xf32, #tpu.memory_space<hbm>> -> memref<640x16xf32, #tpu.memory_space<hbm>>
      %dma_wait3A_25 = arith.constant 0 : i32
      %dma_wait3A_26 = tpu.memref_slice %arg9[%mul3A_0, %dma_wait3A_25] : memref<10240x16xf32, #tpu.memory_space<vmem_shared>> -> memref<640x16xf32, #tpu.memory_space<vmem_shared>>
      tpu.wait_dma2 semaphore(%run_scoped3A : memref<!tpu.dma_semaphore, #tpu.memory_space<semaphore_mem>>) src(%dma_wait3A_26 : memref<640x16xf32, #tpu.memory_space<vmem_shared>>) dst(%dma_wait3A_24 : memref<640x16xf32, #tpu.memory_space<hbm>>)
      tpu.yield
    }) : () -> ()
    return
  }
}

#map = affine_map<(d0, d1) -> (0, 0)>
#map1 = affine_map<(d0, d1) -> (0, 0, 0)>
module attributes {stable_mosaic.version = 14 : i64} {
  func.func @deg_kernel(%arg0: i32, %arg1: i32, %arg2: memref<2x320000xi32, #tpu.memory_space<hbm>>, %arg3: memref<1000x8xf32, #tpu.memory_space<hbm>>, %arg4: memref<10240x8xf32, #tpu.memory_space<hbm>>, %arg5: memref<2x10240x8xf32, #tpu.memory_space<hbm>>, %arg6: memref<10000xi32, #tpu.memory_space<vmem>>, %arg7: memref<1000x8xf32, #tpu.memory_space<vmem>>, %arg8: memref<10240x8xf32, #tpu.memory_space<vmem_shared>>) attributes {dimension_semantics = [#tpu.dimension_semantics<core_parallel>, #tpu.dimension_semantics<subcore_parallel>], iteration_bounds = array<i64: 2, 16>, scalar_prefetch = 0 : i64, scratch_operands = 3 : i64, tpu.core_type = #tpu.core_type<sc_vector_subcore>, window_params = [{transform_indices = #map}, {transform_indices = #map}, {transform_indices = #map}, {transform_indices = #map1}]} {
    %mul3A = arith.constant 2 : i32
    %mul3A_0 = arith.muli %arg1, %mul3A : i32
    %add3A = arith.addi %mul3A_0, %arg0 : i32
    %mul3A_1 = arith.constant 640 : i32
    %mul3A_2 = arith.muli %arg1, %mul3A_1 : i32
    %mul3A_3 = arith.constant 10000 : i32
    %mul3A_4 = arith.muli %add3A, %mul3A_3 : i32
    "tpu.region"() ({
      %run_scoped3A_10 = tpu.sem_alloc : memref<!tpu.dma_semaphore, #tpu.memory_space<semaphore_mem>>
      %dma_start3A = arith.constant 0 : i32
      %dma_start3A_11 = tpu.memref_slice %arg8[%mul3A_2, %dma_start3A] : memref<10240x8xf32, #tpu.memory_space<vmem_shared>> -> memref<640x8xf32, #tpu.memory_space<vmem_shared>>
      %dma_start3A_12 = arith.constant 0 : i32
      %dma_start3A_13 = tpu.memref_slice %arg4[%mul3A_2, %dma_start3A_12] : memref<10240x8xf32, #tpu.memory_space<hbm>> -> memref<640x8xf32, #tpu.memory_space<hbm>>
      tpu.enqueue_dma source(%dma_start3A_13 : memref<640x8xf32, #tpu.memory_space<hbm>>) target(%dma_start3A_11 : memref<640x8xf32, #tpu.memory_space<vmem_shared>>) target_semaphore(%run_scoped3A_10 : memref<!tpu.dma_semaphore, #tpu.memory_space<semaphore_mem>>)
      %dma_wait3A = arith.constant 0 : i32
      %dma_wait3A_14 = tpu.memref_slice %arg8[%mul3A_2, %dma_wait3A] : memref<10240x8xf32, #tpu.memory_space<vmem_shared>> -> memref<640x8xf32, #tpu.memory_space<vmem_shared>>
      %dma_wait3A_15 = arith.constant 0 : i32
      %dma_wait3A_16 = tpu.memref_slice %arg4[%mul3A_2, %dma_wait3A_15] : memref<10240x8xf32, #tpu.memory_space<hbm>> -> memref<640x8xf32, #tpu.memory_space<hbm>>
      tpu.wait_dma2 semaphore(%run_scoped3A_10 : memref<!tpu.dma_semaphore, #tpu.memory_space<semaphore_mem>>) src(%dma_wait3A_16 : memref<640x8xf32, #tpu.memory_space<hbm>>) dst(%dma_wait3A_14 : memref<640x8xf32, #tpu.memory_space<vmem_shared>>)
      tpu.yield
    }) : () -> ()
    "tpu.region"() ({
      %run_scoped3A_10 = tpu.sem_alloc : memref<!tpu.dma_semaphore, #tpu.memory_space<semaphore_mem>>
      tpu.enqueue_dma source(%arg3 : memref<1000x8xf32, #tpu.memory_space<hbm>>) target(%arg7 : memref<1000x8xf32, #tpu.memory_space<vmem>>) target_semaphore(%run_scoped3A_10 : memref<!tpu.dma_semaphore, #tpu.memory_space<semaphore_mem>>)
      tpu.wait_dma2 semaphore(%run_scoped3A_10 : memref<!tpu.dma_semaphore, #tpu.memory_space<semaphore_mem>>) src(%arg3 : memref<1000x8xf32, #tpu.memory_space<hbm>>) dst(%arg7 : memref<1000x8xf32, #tpu.memory_space<vmem>>)
      tpu.yield
    }) : () -> ()
    %run_scoped3A = arith.constant 1 : i32
    "tpu.region"() ({
      %run_scoped3A_10 = tpu.sem_alloc : memref<!tpu.dma_semaphore, #tpu.memory_space<semaphore_mem>>
      %dma_start3A = tpu.memref_slice %arg2[%run_scoped3A, %mul3A_4] : memref<2x320000xi32, #tpu.memory_space<hbm>> -> memref<1x10000xi32, #tpu.memory_space<hbm>>
      %dma_start3A_11 = tpu.memref_squeeze %dma_start3A : memref<1x10000xi32, #tpu.memory_space<hbm>> -> memref<10000xi32, #tpu.memory_space<hbm>>
      %dma_start3A_12 = tpu.memref_slice %arg2[%run_scoped3A, %mul3A_4] : memref<2x320000xi32, #tpu.memory_space<hbm>> -> memref<1x10000xi32, #tpu.memory_space<hbm>>
      %dma_start3A_13 = tpu.memref_squeeze %dma_start3A_12 : memref<1x10000xi32, #tpu.memory_space<hbm>> -> memref<10000xi32, #tpu.memory_space<hbm>>
      tpu.enqueue_dma source(%dma_start3A_13 : memref<10000xi32, #tpu.memory_space<hbm>>) target(%arg6 : memref<10000xi32, #tpu.memory_space<vmem>>) target_semaphore(%run_scoped3A_10 : memref<!tpu.dma_semaphore, #tpu.memory_space<semaphore_mem>>)
      %dma_wait3A = tpu.memref_slice %arg2[%run_scoped3A, %mul3A_4] : memref<2x320000xi32, #tpu.memory_space<hbm>> -> memref<1x10000xi32, #tpu.memory_space<hbm>>
      %dma_wait3A_14 = tpu.memref_squeeze %dma_wait3A : memref<1x10000xi32, #tpu.memory_space<hbm>> -> memref<10000xi32, #tpu.memory_space<hbm>>
      %dma_wait3A_15 = tpu.memref_slice %arg2[%run_scoped3A, %mul3A_4] : memref<2x320000xi32, #tpu.memory_space<hbm>> -> memref<1x10000xi32, #tpu.memory_space<hbm>>
      %dma_wait3A_16 = tpu.memref_squeeze %dma_wait3A_15 : memref<1x10000xi32, #tpu.memory_space<hbm>> -> memref<10000xi32, #tpu.memory_space<hbm>>
      tpu.wait_dma2 semaphore(%run_scoped3A_10 : memref<!tpu.dma_semaphore, #tpu.memory_space<semaphore_mem>>) src(%dma_wait3A_16 : memref<10000xi32, #tpu.memory_space<hbm>>) dst(%arg6 : memref<10000xi32, #tpu.memory_space<vmem>>)
      tpu.yield
    }) : () -> ()
    %barrier3A = arith.constant 0 : index
    tpu.barrier barrier_id(%barrier3A)
    %scan3A = arith.constant 0 : i32
    %scan3A_5 = arith.constant 10 : i32
    %scan3A_6 = arith.addi %scan3A, %scan3A_5 : i32
    %scan3A_7 = arith.constant 1 : i32
    scf.for %scan3A_10 = %scan3A to %scan3A_6 step %scan3A_7  : i32 {
      %mul3A_11 = arith.constant 1 : i32
      %mul3A_12 = arith.muli %scan3A_10, %mul3A_11 : i32
      %add3A_13 = arith.constant 0 : i32
      %add3A_14 = arith.addi %add3A_13, %mul3A_12 : i32
      %mul3A_15 = arith.constant 1000 : i32
      %mul3A_16 = arith.muli %add3A_14, %mul3A_15 : i32
      "tpu.region"() ({
        %run_scoped3A_17 = tpu.sem_alloc : memref<!tpu.dma_semaphore, #tpu.memory_space<semaphore_mem>>
        %dma_start3A = tpu.memref_slice %arg6[%mul3A_16] : memref<10000xi32, #tpu.memory_space<vmem>> -> memref<1000xi32, #tpu.memory_space<vmem>>
        %dma_start3A_18 = arith.constant 0 : i32
        %dma_start3A_19 = arith.constant 0 : i32
        %dma_start3A_20 = tpu.memref_slice %arg8[%dma_start3A_18, %dma_start3A_19] : memref<10240x8xf32, #tpu.memory_space<vmem_shared>> -> memref<10240x8xf32, #tpu.memory_space<vmem_shared>>
        tpu.enqueue_indirect_dma source(%arg7 : memref<1000x8xf32, #tpu.memory_space<vmem>>) target(%dma_start3A_20 : memref<10240x8xf32, #tpu.memory_space<vmem_shared>>) offsets(%dma_start3A : memref<1000xi32, #tpu.memory_space<vmem>>) semaphore(%run_scoped3A_17 : memref<!tpu.dma_semaphore, #tpu.memory_space<semaphore_mem>>) {add = true}
        %dma_wait3A = tpu.memref_slice %arg6[%mul3A_16] : memref<10000xi32, #tpu.memory_space<vmem>> -> memref<1000xi32, #tpu.memory_space<vmem>>
        %dma_wait3A_21 = arith.constant 0 : i32
        %dma_wait3A_22 = arith.constant 0 : i32
        %dma_wait3A_23 = tpu.memref_slice %arg8[%dma_wait3A_21, %dma_wait3A_22] : memref<10240x8xf32, #tpu.memory_space<vmem_shared>> -> memref<10240x8xf32, #tpu.memory_space<vmem_shared>>
        tpu.wait_indirect_dma semaphore(%run_scoped3A_17 : memref<!tpu.dma_semaphore, #tpu.memory_space<semaphore_mem>>) src(%arg7 : memref<1000x8xf32, #tpu.memory_space<vmem>>) dst(%dma_wait3A_23 : memref<10240x8xf32, #tpu.memory_space<vmem_shared>>)
        tpu.yield
      }) : () -> ()
    }
    %scan3A_8 = arith.constant 10 : i32
    %barrier3A_9 = arith.constant 0 : index
    tpu.barrier barrier_id(%barrier3A_9)
    "tpu.region"() ({
      %run_scoped3A_10 = tpu.sem_alloc : memref<!tpu.dma_semaphore, #tpu.memory_space<semaphore_mem>>
      %dma_start3A = arith.constant 0 : i32
      %dma_start3A_11 = tpu.memref_slice %arg5[%arg0, %mul3A_2, %dma_start3A] : memref<2x10240x8xf32, #tpu.memory_space<hbm>> -> memref<1x640x8xf32, #tpu.memory_space<hbm>>
      %dma_start3A_12 = tpu.memref_squeeze %dma_start3A_11 : memref<1x640x8xf32, #tpu.memory_space<hbm>> -> memref<640x8xf32, #tpu.memory_space<hbm>>
      %dma_start3A_13 = arith.constant 0 : i32
      %dma_start3A_14 = tpu.memref_slice %arg8[%mul3A_2, %dma_start3A_13] : memref<10240x8xf32, #tpu.memory_space<vmem_shared>> -> memref<640x8xf32, #tpu.memory_space<vmem_shared>>
      tpu.enqueue_dma source(%dma_start3A_14 : memref<640x8xf32, #tpu.memory_space<vmem_shared>>) target(%dma_start3A_12 : memref<640x8xf32, #tpu.memory_space<hbm>>) target_semaphore(%run_scoped3A_10 : memref<!tpu.dma_semaphore, #tpu.memory_space<semaphore_mem>>)
      %dma_wait3A = arith.constant 0 : i32
      %dma_wait3A_15 = tpu.memref_slice %arg5[%arg0, %mul3A_2, %dma_wait3A] : memref<2x10240x8xf32, #tpu.memory_space<hbm>> -> memref<1x640x8xf32, #tpu.memory_space<hbm>>
      %dma_wait3A_16 = tpu.memref_squeeze %dma_wait3A_15 : memref<1x640x8xf32, #tpu.memory_space<hbm>> -> memref<640x8xf32, #tpu.memory_space<hbm>>
      %dma_wait3A_17 = arith.constant 0 : i32
      %dma_wait3A_18 = tpu.memref_slice %arg8[%mul3A_2, %dma_wait3A_17] : memref<10240x8xf32, #tpu.memory_space<vmem_shared>> -> memref<640x8xf32, #tpu.memory_space<vmem_shared>>
      tpu.wait_dma2 semaphore(%run_scoped3A_10 : memref<!tpu.dma_semaphore, #tpu.memory_space<semaphore_mem>>) src(%dma_wait3A_18 : memref<640x8xf32, #tpu.memory_space<vmem_shared>>) dst(%dma_wait3A_16 : memref<640x8xf32, #tpu.memory_space<hbm>>)
      tpu.yield
    }) : () -> ()
    return
  }
}

#map = affine_map<(d0, d1) -> (0, 0)>
#map1 = affine_map<(d0, d1) -> (0, 0, 0)>
module attributes {stable_mosaic.version = 14 : i64} {
  func.func @agg_kernel(%arg0: i32, %arg1: i32, %arg2: memref<10000x32xf32, #tpu.memory_space<hbm>>, %arg3: memref<2x320000xi32, #tpu.memory_space<hbm>>, %arg4: memref<10240x32xf32, #tpu.memory_space<hbm>>, %arg5: memref<2x10240x32xf32, #tpu.memory_space<hbm>>, %arg6: memref<11000xi32, #tpu.memory_space<vmem>>, %arg7: memref<11000xi32, #tpu.memory_space<vmem>>, %arg8: memref<1000x32xf32, #tpu.memory_space<vmem>>, %arg9: memref<10240x32xf32, #tpu.memory_space<vmem_shared>>) attributes {dimension_semantics = [#tpu.dimension_semantics<core_parallel>, #tpu.dimension_semantics<subcore_parallel>], iteration_bounds = array<i64: 2, 16>, scalar_prefetch = 0 : i64, scratch_operands = 4 : i64, tpu.core_type = #tpu.core_type<sc_vector_subcore>, window_params = [{transform_indices = #map}, {transform_indices = #map}, {transform_indices = #map}, {transform_indices = #map1}]} {
    %mul3A = arith.constant 640 : i32
    %mul3A_0 = arith.muli %arg1, %mul3A : i32
    "tpu.region"() ({
      %run_scoped3A = tpu.sem_alloc : memref<!tpu.dma_semaphore, #tpu.memory_space<semaphore_mem>>
      %dma_start3A = arith.constant 0 : i32
      %dma_start3A_19 = tpu.memref_slice %arg9[%mul3A_0, %dma_start3A] : memref<10240x32xf32, #tpu.memory_space<vmem_shared>> -> memref<640x32xf32, #tpu.memory_space<vmem_shared>>
      %dma_start3A_20 = arith.constant 0 : i32
      %dma_start3A_21 = tpu.memref_slice %arg4[%mul3A_0, %dma_start3A_20] : memref<10240x32xf32, #tpu.memory_space<hbm>> -> memref<640x32xf32, #tpu.memory_space<hbm>>
      tpu.enqueue_dma source(%dma_start3A_21 : memref<640x32xf32, #tpu.memory_space<hbm>>) target(%dma_start3A_19 : memref<640x32xf32, #tpu.memory_space<vmem_shared>>) target_semaphore(%run_scoped3A : memref<!tpu.dma_semaphore, #tpu.memory_space<semaphore_mem>>)
      %dma_wait3A = arith.constant 0 : i32
      %dma_wait3A_22 = tpu.memref_slice %arg9[%mul3A_0, %dma_wait3A] : memref<10240x32xf32, #tpu.memory_space<vmem_shared>> -> memref<640x32xf32, #tpu.memory_space<vmem_shared>>
      %dma_wait3A_23 = arith.constant 0 : i32
      %dma_wait3A_24 = tpu.memref_slice %arg4[%mul3A_0, %dma_wait3A_23] : memref<10240x32xf32, #tpu.memory_space<hbm>> -> memref<640x32xf32, #tpu.memory_space<hbm>>
      tpu.wait_dma2 semaphore(%run_scoped3A : memref<!tpu.dma_semaphore, #tpu.memory_space<semaphore_mem>>) src(%dma_wait3A_24 : memref<640x32xf32, #tpu.memory_space<hbm>>) dst(%dma_wait3A_22 : memref<640x32xf32, #tpu.memory_space<vmem_shared>>)
      tpu.yield
    }) : () -> ()
    %eq3A = arith.constant 0 : i32
    %eq3A_1 = arith.cmpi eq, %arg0, %eq3A : i32
    %convert_element_type3A = arith.extui %eq3A_1 : i1 to i32
    %cond3A = arith.constant 0 : i32
    %cond3A_2 = arith.cmpi ne, %convert_element_type3A, %cond3A : i32
    scf.if %cond3A_2 {
      %mul3A_19 = arith.constant 9000 : i32
      %mul3A_20 = arith.muli %arg1, %mul3A_19 : i32
      %run_scoped3A = arith.constant 0 : i32
      "tpu.region"() ({
        %run_scoped3A_22 = tpu.sem_alloc : memref<!tpu.dma_semaphore, #tpu.memory_space<semaphore_mem>>
        %dma_start3A = arith.constant 0 : i32
        %dma_start3A_23 = tpu.memref_slice %arg6[%dma_start3A] : memref<11000xi32, #tpu.memory_space<vmem>> -> memref<9000xi32, #tpu.memory_space<vmem>>
        %dma_start3A_24 = tpu.memref_slice %arg3[%run_scoped3A, %mul3A_20] : memref<2x320000xi32, #tpu.memory_space<hbm>> -> memref<1x9000xi32, #tpu.memory_space<hbm>>
        %dma_start3A_25 = tpu.memref_squeeze %dma_start3A_24 : memref<1x9000xi32, #tpu.memory_space<hbm>> -> memref<9000xi32, #tpu.memory_space<hbm>>
        %dma_start3A_26 = arith.constant 0 : i32
        %dma_start3A_27 = tpu.memref_slice %arg6[%dma_start3A_26] : memref<11000xi32, #tpu.memory_space<vmem>> -> memref<9000xi32, #tpu.memory_space<vmem>>
        %dma_start3A_28 = tpu.memref_slice %arg3[%run_scoped3A, %mul3A_20] : memref<2x320000xi32, #tpu.memory_space<hbm>> -> memref<1x9000xi32, #tpu.memory_space<hbm>>
        %dma_start3A_29 = tpu.memref_squeeze %dma_start3A_28 : memref<1x9000xi32, #tpu.memory_space<hbm>> -> memref<9000xi32, #tpu.memory_space<hbm>>
        tpu.enqueue_dma source(%dma_start3A_29 : memref<9000xi32, #tpu.memory_space<hbm>>) target(%dma_start3A_27 : memref<9000xi32, #tpu.memory_space<vmem>>) target_semaphore(%run_scoped3A_22 : memref<!tpu.dma_semaphore, #tpu.memory_space<semaphore_mem>>)
        %dma_wait3A = arith.constant 0 : i32
        %dma_wait3A_30 = tpu.memref_slice %arg6[%dma_wait3A] : memref<11000xi32, #tpu.memory_space<vmem>> -> memref<9000xi32, #tpu.memory_space<vmem>>
        %dma_wait3A_31 = tpu.memref_slice %arg3[%run_scoped3A, %mul3A_20] : memref<2x320000xi32, #tpu.memory_space<hbm>> -> memref<1x9000xi32, #tpu.memory_space<hbm>>
        %dma_wait3A_32 = tpu.memref_squeeze %dma_wait3A_31 : memref<1x9000xi32, #tpu.memory_space<hbm>> -> memref<9000xi32, #tpu.memory_space<hbm>>
        %dma_wait3A_33 = arith.constant 0 : i32
        %dma_wait3A_34 = tpu.memref_slice %arg6[%dma_wait3A_33] : memref<11000xi32, #tpu.memory_space<vmem>> -> memref<9000xi32, #tpu.memory_space<vmem>>
        %dma_wait3A_35 = tpu.memref_slice %arg3[%run_scoped3A, %mul3A_20] : memref<2x320000xi32, #tpu.memory_space<hbm>> -> memref<1x9000xi32, #tpu.memory_space<hbm>>
        %dma_wait3A_36 = tpu.memref_squeeze %dma_wait3A_35 : memref<1x9000xi32, #tpu.memory_space<hbm>> -> memref<9000xi32, #tpu.memory_space<hbm>>
        tpu.wait_dma2 semaphore(%run_scoped3A_22 : memref<!tpu.dma_semaphore, #tpu.memory_space<semaphore_mem>>) src(%dma_wait3A_36 : memref<9000xi32, #tpu.memory_space<hbm>>) dst(%dma_wait3A_34 : memref<9000xi32, #tpu.memory_space<vmem>>)
        tpu.yield
      }) : () -> ()
      %run_scoped3A_21 = arith.constant 1 : i32
      "tpu.region"() ({
        %run_scoped3A_22 = tpu.sem_alloc : memref<!tpu.dma_semaphore, #tpu.memory_space<semaphore_mem>>
        %dma_start3A = arith.constant 0 : i32
        %dma_start3A_23 = tpu.memref_slice %arg7[%dma_start3A] : memref<11000xi32, #tpu.memory_space<vmem>> -> memref<9000xi32, #tpu.memory_space<vmem>>
        %dma_start3A_24 = tpu.memref_slice %arg3[%run_scoped3A_21, %mul3A_20] : memref<2x320000xi32, #tpu.memory_space<hbm>> -> memref<1x9000xi32, #tpu.memory_space<hbm>>
        %dma_start3A_25 = tpu.memref_squeeze %dma_start3A_24 : memref<1x9000xi32, #tpu.memory_space<hbm>> -> memref<9000xi32, #tpu.memory_space<hbm>>
        %dma_start3A_26 = arith.constant 0 : i32
        %dma_start3A_27 = tpu.memref_slice %arg7[%dma_start3A_26] : memref<11000xi32, #tpu.memory_space<vmem>> -> memref<9000xi32, #tpu.memory_space<vmem>>
        %dma_start3A_28 = tpu.memref_slice %arg3[%run_scoped3A_21, %mul3A_20] : memref<2x320000xi32, #tpu.memory_space<hbm>> -> memref<1x9000xi32, #tpu.memory_space<hbm>>
        %dma_start3A_29 = tpu.memref_squeeze %dma_start3A_28 : memref<1x9000xi32, #tpu.memory_space<hbm>> -> memref<9000xi32, #tpu.memory_space<hbm>>
        tpu.enqueue_dma source(%dma_start3A_29 : memref<9000xi32, #tpu.memory_space<hbm>>) target(%dma_start3A_27 : memref<9000xi32, #tpu.memory_space<vmem>>) target_semaphore(%run_scoped3A_22 : memref<!tpu.dma_semaphore, #tpu.memory_space<semaphore_mem>>)
        %dma_wait3A = arith.constant 0 : i32
        %dma_wait3A_30 = tpu.memref_slice %arg7[%dma_wait3A] : memref<11000xi32, #tpu.memory_space<vmem>> -> memref<9000xi32, #tpu.memory_space<vmem>>
        %dma_wait3A_31 = tpu.memref_slice %arg3[%run_scoped3A_21, %mul3A_20] : memref<2x320000xi32, #tpu.memory_space<hbm>> -> memref<1x9000xi32, #tpu.memory_space<hbm>>
        %dma_wait3A_32 = tpu.memref_squeeze %dma_wait3A_31 : memref<1x9000xi32, #tpu.memory_space<hbm>> -> memref<9000xi32, #tpu.memory_space<hbm>>
        %dma_wait3A_33 = arith.constant 0 : i32
        %dma_wait3A_34 = tpu.memref_slice %arg7[%dma_wait3A_33] : memref<11000xi32, #tpu.memory_space<vmem>> -> memref<9000xi32, #tpu.memory_space<vmem>>
        %dma_wait3A_35 = tpu.memref_slice %arg3[%run_scoped3A_21, %mul3A_20] : memref<2x320000xi32, #tpu.memory_space<hbm>> -> memref<1x9000xi32, #tpu.memory_space<hbm>>
        %dma_wait3A_36 = tpu.memref_squeeze %dma_wait3A_35 : memref<1x9000xi32, #tpu.memory_space<hbm>> -> memref<9000xi32, #tpu.memory_space<hbm>>
        tpu.wait_dma2 semaphore(%run_scoped3A_22 : memref<!tpu.dma_semaphore, #tpu.memory_space<semaphore_mem>>) src(%dma_wait3A_36 : memref<9000xi32, #tpu.memory_space<hbm>>) dst(%dma_wait3A_34 : memref<9000xi32, #tpu.memory_space<vmem>>)
        tpu.yield
      }) : () -> ()
    } else {
    }
    %eq3A_3 = arith.constant 1 : i32
    %eq3A_4 = arith.cmpi eq, %arg0, %eq3A_3 : i32
    %convert_element_type3A_5 = arith.extui %eq3A_4 : i1 to i32
    %cond3A_6 = arith.constant 0 : i32
    %cond3A_7 = arith.cmpi ne, %convert_element_type3A_5, %cond3A_6 : i32
    scf.if %cond3A_7 {
      %mul3A_19 = arith.constant 11000 : i32
      %mul3A_20 = arith.muli %arg1, %mul3A_19 : i32
      %add3A = arith.constant 144000 : i32
      %add3A_21 = arith.addi %add3A, %mul3A_20 : i32
      %run_scoped3A = arith.constant 0 : i32
      "tpu.region"() ({
        %run_scoped3A_23 = tpu.sem_alloc : memref<!tpu.dma_semaphore, #tpu.memory_space<semaphore_mem>>
        %dma_start3A = arith.constant 0 : i32
        %dma_start3A_24 = tpu.memref_slice %arg6[%dma_start3A] : memref<11000xi32, #tpu.memory_space<vmem>> -> memref<11000xi32, #tpu.memory_space<vmem>>
        %dma_start3A_25 = tpu.memref_slice %arg3[%run_scoped3A, %add3A_21] : memref<2x320000xi32, #tpu.memory_space<hbm>> -> memref<1x11000xi32, #tpu.memory_space<hbm>>
        %dma_start3A_26 = tpu.memref_squeeze %dma_start3A_25 : memref<1x11000xi32, #tpu.memory_space<hbm>> -> memref<11000xi32, #tpu.memory_space<hbm>>
        %dma_start3A_27 = arith.constant 0 : i32
        %dma_start3A_28 = tpu.memref_slice %arg6[%dma_start3A_27] : memref<11000xi32, #tpu.memory_space<vmem>> -> memref<11000xi32, #tpu.memory_space<vmem>>
        %dma_start3A_29 = tpu.memref_slice %arg3[%run_scoped3A, %add3A_21] : memref<2x320000xi32, #tpu.memory_space<hbm>> -> memref<1x11000xi32, #tpu.memory_space<hbm>>
        %dma_start3A_30 = tpu.memref_squeeze %dma_start3A_29 : memref<1x11000xi32, #tpu.memory_space<hbm>> -> memref<11000xi32, #tpu.memory_space<hbm>>
        tpu.enqueue_dma source(%dma_start3A_30 : memref<11000xi32, #tpu.memory_space<hbm>>) target(%dma_start3A_28 : memref<11000xi32, #tpu.memory_space<vmem>>) target_semaphore(%run_scoped3A_23 : memref<!tpu.dma_semaphore, #tpu.memory_space<semaphore_mem>>)
        %dma_wait3A = arith.constant 0 : i32
        %dma_wait3A_31 = tpu.memref_slice %arg6[%dma_wait3A] : memref<11000xi32, #tpu.memory_space<vmem>> -> memref<11000xi32, #tpu.memory_space<vmem>>
        %dma_wait3A_32 = tpu.memref_slice %arg3[%run_scoped3A, %add3A_21] : memref<2x320000xi32, #tpu.memory_space<hbm>> -> memref<1x11000xi32, #tpu.memory_space<hbm>>
        %dma_wait3A_33 = tpu.memref_squeeze %dma_wait3A_32 : memref<1x11000xi32, #tpu.memory_space<hbm>> -> memref<11000xi32, #tpu.memory_space<hbm>>
        %dma_wait3A_34 = arith.constant 0 : i32
        %dma_wait3A_35 = tpu.memref_slice %arg6[%dma_wait3A_34] : memref<11000xi32, #tpu.memory_space<vmem>> -> memref<11000xi32, #tpu.memory_space<vmem>>
        %dma_wait3A_36 = tpu.memref_slice %arg3[%run_scoped3A, %add3A_21] : memref<2x320000xi32, #tpu.memory_space<hbm>> -> memref<1x11000xi32, #tpu.memory_space<hbm>>
        %dma_wait3A_37 = tpu.memref_squeeze %dma_wait3A_36 : memref<1x11000xi32, #tpu.memory_space<hbm>> -> memref<11000xi32, #tpu.memory_space<hbm>>
        tpu.wait_dma2 semaphore(%run_scoped3A_23 : memref<!tpu.dma_semaphore, #tpu.memory_space<semaphore_mem>>) src(%dma_wait3A_37 : memref<11000xi32, #tpu.memory_space<hbm>>) dst(%dma_wait3A_35 : memref<11000xi32, #tpu.memory_space<vmem>>)
        tpu.yield
      }) : () -> ()
      %run_scoped3A_22 = arith.constant 1 : i32
      "tpu.region"() ({
        %run_scoped3A_23 = tpu.sem_alloc : memref<!tpu.dma_semaphore, #tpu.memory_space<semaphore_mem>>
        %dma_start3A = arith.constant 0 : i32
        %dma_start3A_24 = tpu.memref_slice %arg7[%dma_start3A] : memref<11000xi32, #tpu.memory_space<vmem>> -> memref<11000xi32, #tpu.memory_space<vmem>>
        %dma_start3A_25 = tpu.memref_slice %arg3[%run_scoped3A_22, %add3A_21] : memref<2x320000xi32, #tpu.memory_space<hbm>> -> memref<1x11000xi32, #tpu.memory_space<hbm>>
        %dma_start3A_26 = tpu.memref_squeeze %dma_start3A_25 : memref<1x11000xi32, #tpu.memory_space<hbm>> -> memref<11000xi32, #tpu.memory_space<hbm>>
        %dma_start3A_27 = arith.constant 0 : i32
        %dma_start3A_28 = tpu.memref_slice %arg7[%dma_start3A_27] : memref<11000xi32, #tpu.memory_space<vmem>> -> memref<11000xi32, #tpu.memory_space<vmem>>
        %dma_start3A_29 = tpu.memref_slice %arg3[%run_scoped3A_22, %add3A_21] : memref<2x320000xi32, #tpu.memory_space<hbm>> -> memref<1x11000xi32, #tpu.memory_space<hbm>>
        %dma_start3A_30 = tpu.memref_squeeze %dma_start3A_29 : memref<1x11000xi32, #tpu.memory_space<hbm>> -> memref<11000xi32, #tpu.memory_space<hbm>>
        tpu.enqueue_dma source(%dma_start3A_30 : memref<11000xi32, #tpu.memory_space<hbm>>) target(%dma_start3A_28 : memref<11000xi32, #tpu.memory_space<vmem>>) target_semaphore(%run_scoped3A_23 : memref<!tpu.dma_semaphore, #tpu.memory_space<semaphore_mem>>)
        %dma_wait3A = arith.constant 0 : i32
        %dma_wait3A_31 = tpu.memref_slice %arg7[%dma_wait3A] : memref<11000xi32, #tpu.memory_space<vmem>> -> memref<11000xi32, #tpu.memory_space<vmem>>
        %dma_wait3A_32 = tpu.memref_slice %arg3[%run_scoped3A_22, %add3A_21] : memref<2x320000xi32, #tpu.memory_space<hbm>> -> memref<1x11000xi32, #tpu.memory_space<hbm>>
        %dma_wait3A_33 = tpu.memref_squeeze %dma_wait3A_32 : memref<1x11000xi32, #tpu.memory_space<hbm>> -> memref<11000xi32, #tpu.memory_space<hbm>>
        %dma_wait3A_34 = arith.constant 0 : i32
        %dma_wait3A_35 = tpu.memref_slice %arg7[%dma_wait3A_34] : memref<11000xi32, #tpu.memory_space<vmem>> -> memref<11000xi32, #tpu.memory_space<vmem>>
        %dma_wait3A_36 = tpu.memref_slice %arg3[%run_scoped3A_22, %add3A_21] : memref<2x320000xi32, #tpu.memory_space<hbm>> -> memref<1x11000xi32, #tpu.memory_space<hbm>>
        %dma_wait3A_37 = tpu.memref_squeeze %dma_wait3A_36 : memref<1x11000xi32, #tpu.memory_space<hbm>> -> memref<11000xi32, #tpu.memory_space<hbm>>
        tpu.wait_dma2 semaphore(%run_scoped3A_23 : memref<!tpu.dma_semaphore, #tpu.memory_space<semaphore_mem>>) src(%dma_wait3A_37 : memref<11000xi32, #tpu.memory_space<hbm>>) dst(%dma_wait3A_35 : memref<11000xi32, #tpu.memory_space<vmem>>)
        tpu.yield
      }) : () -> ()
    } else {
    }
    %barrier3A = arith.constant 0 : index
    tpu.barrier barrier_id(%barrier3A)
    %eq3A_8 = arith.constant 0 : i32
    %eq3A_9 = arith.cmpi eq, %arg0, %eq3A_8 : i32
    %convert_element_type3A_10 = arith.extui %eq3A_9 : i1 to i32
    %cond3A_11 = arith.constant 0 : i32
    %cond3A_12 = arith.cmpi ne, %convert_element_type3A_10, %cond3A_11 : i32
    scf.if %cond3A_12 {
      %scan3A = arith.constant 0 : i32
      %scan3A_19 = arith.constant 9 : i32
      %scan3A_20 = arith.addi %scan3A, %scan3A_19 : i32
      %scan3A_21 = arith.constant 1 : i32
      scf.for %scan3A_23 = %scan3A to %scan3A_20 step %scan3A_21  : i32 {
        %mul3A_24 = arith.constant 1 : i32
        %mul3A_25 = arith.muli %scan3A_23, %mul3A_24 : i32
        %add3A = arith.constant 0 : i32
        %add3A_26 = arith.addi %add3A, %mul3A_25 : i32
        %mul3A_27 = arith.constant 1000 : i32
        %mul3A_28 = arith.muli %add3A_26, %mul3A_27 : i32
        "tpu.region"() ({
          %run_scoped3A = tpu.sem_alloc : memref<!tpu.dma_semaphore, #tpu.memory_space<semaphore_mem>>
          %dma_start3A = tpu.memref_slice %arg6[%mul3A_28] : memref<11000xi32, #tpu.memory_space<vmem>> -> memref<1000xi32, #tpu.memory_space<vmem>>
          %dma_start3A_31 = arith.constant 0 : i32
          %dma_start3A_32 = arith.constant 0 : i32
          %dma_start3A_33 = tpu.memref_slice %arg2[%dma_start3A_31, %dma_start3A_32] : memref<10000x32xf32, #tpu.memory_space<hbm>> -> memref<10000x32xf32, #tpu.memory_space<hbm>>
          tpu.enqueue_indirect_dma source(%dma_start3A_33 : memref<10000x32xf32, #tpu.memory_space<hbm>>) target(%arg8 : memref<1000x32xf32, #tpu.memory_space<vmem>>) offsets(%dma_start3A : memref<1000xi32, #tpu.memory_space<vmem>>) semaphore(%run_scoped3A : memref<!tpu.dma_semaphore, #tpu.memory_space<semaphore_mem>>)
          %dma_wait3A = tpu.memref_slice %arg6[%mul3A_28] : memref<11000xi32, #tpu.memory_space<vmem>> -> memref<1000xi32, #tpu.memory_space<vmem>>
          %dma_wait3A_34 = arith.constant 0 : i32
          %dma_wait3A_35 = arith.constant 0 : i32
          %dma_wait3A_36 = tpu.memref_slice %arg2[%dma_wait3A_34, %dma_wait3A_35] : memref<10000x32xf32, #tpu.memory_space<hbm>> -> memref<10000x32xf32, #tpu.memory_space<hbm>>
          tpu.wait_indirect_dma semaphore(%run_scoped3A : memref<!tpu.dma_semaphore, #tpu.memory_space<semaphore_mem>>) src(%dma_wait3A_36 : memref<10000x32xf32, #tpu.memory_space<hbm>>) dst(%arg8 : memref<1000x32xf32, #tpu.memory_space<vmem>>)
          tpu.yield
        }) : () -> ()
        %mul3A_29 = arith.constant 1000 : i32
        %mul3A_30 = arith.muli %add3A_26, %mul3A_29 : i32
        "tpu.region"() ({
          %run_scoped3A = tpu.sem_alloc : memref<!tpu.dma_semaphore, #tpu.memory_space<semaphore_mem>>
          %dma_start3A = tpu.memref_slice %arg7[%mul3A_30] : memref<11000xi32, #tpu.memory_space<vmem>> -> memref<1000xi32, #tpu.memory_space<vmem>>
          %dma_start3A_31 = arith.constant 0 : i32
          %dma_start3A_32 = arith.constant 0 : i32
          %dma_start3A_33 = tpu.memref_slice %arg9[%dma_start3A_31, %dma_start3A_32] : memref<10240x32xf32, #tpu.memory_space<vmem_shared>> -> memref<10240x32xf32, #tpu.memory_space<vmem_shared>>
          tpu.enqueue_indirect_dma source(%arg8 : memref<1000x32xf32, #tpu.memory_space<vmem>>) target(%dma_start3A_33 : memref<10240x32xf32, #tpu.memory_space<vmem_shared>>) offsets(%dma_start3A : memref<1000xi32, #tpu.memory_space<vmem>>) semaphore(%run_scoped3A : memref<!tpu.dma_semaphore, #tpu.memory_space<semaphore_mem>>) {add = true}
          %dma_wait3A = tpu.memref_slice %arg7[%mul3A_30] : memref<11000xi32, #tpu.memory_space<vmem>> -> memref<1000xi32, #tpu.memory_space<vmem>>
          %dma_wait3A_34 = arith.constant 0 : i32
          %dma_wait3A_35 = arith.constant 0 : i32
          %dma_wait3A_36 = tpu.memref_slice %arg9[%dma_wait3A_34, %dma_wait3A_35] : memref<10240x32xf32, #tpu.memory_space<vmem_shared>> -> memref<10240x32xf32, #tpu.memory_space<vmem_shared>>
          tpu.wait_indirect_dma semaphore(%run_scoped3A : memref<!tpu.dma_semaphore, #tpu.memory_space<semaphore_mem>>) src(%arg8 : memref<1000x32xf32, #tpu.memory_space<vmem>>) dst(%dma_wait3A_36 : memref<10240x32xf32, #tpu.memory_space<vmem_shared>>)
          tpu.yield
        }) : () -> ()
      }
      %scan3A_22 = arith.constant 9 : i32
    } else {
    }
    %eq3A_13 = arith.constant 1 : i32
    %eq3A_14 = arith.cmpi eq, %arg0, %eq3A_13 : i32
    %convert_element_type3A_15 = arith.extui %eq3A_14 : i1 to i32
    %cond3A_16 = arith.constant 0 : i32
    %cond3A_17 = arith.cmpi ne, %convert_element_type3A_15, %cond3A_16 : i32
    scf.if %cond3A_17 {
      %scan3A = arith.constant 0 : i32
      %scan3A_19 = arith.constant 11 : i32
      %scan3A_20 = arith.addi %scan3A, %scan3A_19 : i32
      %scan3A_21 = arith.constant 1 : i32
      scf.for %scan3A_23 = %scan3A to %scan3A_20 step %scan3A_21  : i32 {
        %mul3A_24 = arith.constant 1 : i32
        %mul3A_25 = arith.muli %scan3A_23, %mul3A_24 : i32
        %add3A = arith.constant 0 : i32
        %add3A_26 = arith.addi %add3A, %mul3A_25 : i32
        %mul3A_27 = arith.constant 1000 : i32
        %mul3A_28 = arith.muli %add3A_26, %mul3A_27 : i32
        "tpu.region"() ({
          %run_scoped3A = tpu.sem_alloc : memref<!tpu.dma_semaphore, #tpu.memory_space<semaphore_mem>>
          %dma_start3A = tpu.memref_slice %arg6[%mul3A_28] : memref<11000xi32, #tpu.memory_space<vmem>> -> memref<1000xi32, #tpu.memory_space<vmem>>
          %dma_start3A_31 = arith.constant 0 : i32
          %dma_start3A_32 = arith.constant 0 : i32
          %dma_start3A_33 = tpu.memref_slice %arg2[%dma_start3A_31, %dma_start3A_32] : memref<10000x32xf32, #tpu.memory_space<hbm>> -> memref<10000x32xf32, #tpu.memory_space<hbm>>
          tpu.enqueue_indirect_dma source(%dma_start3A_33 : memref<10000x32xf32, #tpu.memory_space<hbm>>) target(%arg8 : memref<1000x32xf32, #tpu.memory_space<vmem>>) offsets(%dma_start3A : memref<1000xi32, #tpu.memory_space<vmem>>) semaphore(%run_scoped3A : memref<!tpu.dma_semaphore, #tpu.memory_space<semaphore_mem>>)
          %dma_wait3A = tpu.memref_slice %arg6[%mul3A_28] : memref<11000xi32, #tpu.memory_space<vmem>> -> memref<1000xi32, #tpu.memory_space<vmem>>
          %dma_wait3A_34 = arith.constant 0 : i32
          %dma_wait3A_35 = arith.constant 0 : i32
          %dma_wait3A_36 = tpu.memref_slice %arg2[%dma_wait3A_34, %dma_wait3A_35] : memref<10000x32xf32, #tpu.memory_space<hbm>> -> memref<10000x32xf32, #tpu.memory_space<hbm>>
          tpu.wait_indirect_dma semaphore(%run_scoped3A : memref<!tpu.dma_semaphore, #tpu.memory_space<semaphore_mem>>) src(%dma_wait3A_36 : memref<10000x32xf32, #tpu.memory_space<hbm>>) dst(%arg8 : memref<1000x32xf32, #tpu.memory_space<vmem>>)
          tpu.yield
        }) : () -> ()
        %mul3A_29 = arith.constant 1000 : i32
        %mul3A_30 = arith.muli %add3A_26, %mul3A_29 : i32
        "tpu.region"() ({
          %run_scoped3A = tpu.sem_alloc : memref<!tpu.dma_semaphore, #tpu.memory_space<semaphore_mem>>
          %dma_start3A = tpu.memref_slice %arg7[%mul3A_30] : memref<11000xi32, #tpu.memory_space<vmem>> -> memref<1000xi32, #tpu.memory_space<vmem>>
          %dma_start3A_31 = arith.constant 0 : i32
          %dma_start3A_32 = arith.constant 0 : i32
          %dma_start3A_33 = tpu.memref_slice %arg9[%dma_start3A_31, %dma_start3A_32] : memref<10240x32xf32, #tpu.memory_space<vmem_shared>> -> memref<10240x32xf32, #tpu.memory_space<vmem_shared>>
          tpu.enqueue_indirect_dma source(%arg8 : memref<1000x32xf32, #tpu.memory_space<vmem>>) target(%dma_start3A_33 : memref<10240x32xf32, #tpu.memory_space<vmem_shared>>) offsets(%dma_start3A : memref<1000xi32, #tpu.memory_space<vmem>>) semaphore(%run_scoped3A : memref<!tpu.dma_semaphore, #tpu.memory_space<semaphore_mem>>) {add = true}
          %dma_wait3A = tpu.memref_slice %arg7[%mul3A_30] : memref<11000xi32, #tpu.memory_space<vmem>> -> memref<1000xi32, #tpu.memory_space<vmem>>
          %dma_wait3A_34 = arith.constant 0 : i32
          %dma_wait3A_35 = arith.constant 0 : i32
          %dma_wait3A_36 = tpu.memref_slice %arg9[%dma_wait3A_34, %dma_wait3A_35] : memref<10240x32xf32, #tpu.memory_space<vmem_shared>> -> memref<10240x32xf32, #tpu.memory_space<vmem_shared>>
          tpu.wait_indirect_dma semaphore(%run_scoped3A : memref<!tpu.dma_semaphore, #tpu.memory_space<semaphore_mem>>) src(%arg8 : memref<1000x32xf32, #tpu.memory_space<vmem>>) dst(%dma_wait3A_36 : memref<10240x32xf32, #tpu.memory_space<vmem_shared>>)
          tpu.yield
        }) : () -> ()
      }
      %scan3A_22 = arith.constant 11 : i32
    } else {
    }
    %barrier3A_18 = arith.constant 0 : index
    tpu.barrier barrier_id(%barrier3A_18)
    "tpu.region"() ({
      %run_scoped3A = tpu.sem_alloc : memref<!tpu.dma_semaphore, #tpu.memory_space<semaphore_mem>>
      %dma_start3A = arith.constant 0 : i32
      %dma_start3A_19 = tpu.memref_slice %arg5[%arg0, %mul3A_0, %dma_start3A] : memref<2x10240x32xf32, #tpu.memory_space<hbm>> -> memref<1x640x32xf32, #tpu.memory_space<hbm>>
      %dma_start3A_20 = tpu.memref_squeeze %dma_start3A_19 : memref<1x640x32xf32, #tpu.memory_space<hbm>> -> memref<640x32xf32, #tpu.memory_space<hbm>>
      %dma_start3A_21 = arith.constant 0 : i32
      %dma_start3A_22 = tpu.memref_slice %arg9[%mul3A_0, %dma_start3A_21] : memref<10240x32xf32, #tpu.memory_space<vmem_shared>> -> memref<640x32xf32, #tpu.memory_space<vmem_shared>>
      tpu.enqueue_dma source(%dma_start3A_22 : memref<640x32xf32, #tpu.memory_space<vmem_shared>>) target(%dma_start3A_20 : memref<640x32xf32, #tpu.memory_space<hbm>>) target_semaphore(%run_scoped3A : memref<!tpu.dma_semaphore, #tpu.memory_space<semaphore_mem>>)
      %dma_wait3A = arith.constant 0 : i32
      %dma_wait3A_23 = tpu.memref_slice %arg5[%arg0, %mul3A_0, %dma_wait3A] : memref<2x10240x32xf32, #tpu.memory_space<hbm>> -> memref<1x640x32xf32, #tpu.memory_space<hbm>>
      %dma_wait3A_24 = tpu.memref_squeeze %dma_wait3A_23 : memref<1x640x32xf32, #tpu.memory_space<hbm>> -> memref<640x32xf32, #tpu.memory_space<hbm>>
      %dma_wait3A_25 = arith.constant 0 : i32
      %dma_wait3A_26 = tpu.memref_slice %arg9[%mul3A_0, %dma_wait3A_25] : memref<10240x32xf32, #tpu.memory_space<vmem_shared>> -> memref<640x32xf32, #tpu.memory_space<vmem_shared>>
      tpu.wait_dma2 semaphore(%run_scoped3A : memref<!tpu.dma_semaphore, #tpu.memory_space<semaphore_mem>>) src(%dma_wait3A_26 : memref<640x32xf32, #tpu.memory_space<vmem_shared>>) dst(%dma_wait3A_24 : memref<640x32xf32, #tpu.memory_space<hbm>>)
      tpu.yield
    }) : () -> ()
    return
  }
}

module attributes {stable_mosaic.version = 14 : i64} {
  func.func @body(%arg0: i32, %arg1: memref<2x5000x8xf32, #tpu.memory_space<vmem>>, %arg2: memref<5000x32xf32, #tpu.memory_space<vmem>>, %arg3: memref<5000x32xf32, #tpu.memory_space<vmem>>) attributes {dimension_semantics = [#tpu.dimension_semantics<arbitrary>], iteration_bounds = array<i64: 2>, scalar_prefetch = 0 : i64, scratch_operands = 0 : i64, tpu.core_type = #tpu.core_type<tc>, window_params = [{transform_indices = @transform_0, window_bounds = array<i64: 2, 5000, 8>}, {transform_indices = @transform_1, window_bounds = array<i64: 5000, 32>}, {transform_indices = @transform_2, window_bounds = array<i64: 5000, 32>}]} {
    %get3A = arith.constant 0 : index
    %get3A_0 = arith.constant 0 : index
    %get3A_1 = arith.constant 0 : index
    %get3A_2 = vector.load %arg1[%get3A, %get3A_0, %get3A_1] : memref<2x5000x8xf32, #tpu.memory_space<vmem>>, vector<1x5000x1xf32>
    %get3A_3 = vector.shape_cast %get3A_2 : vector<1x5000x1xf32> to vector<5000x1xf32>
    %add3A = arith.constant 1.000000e+00 : f32
    %add3A_4 = vector.broadcast %add3A : f32 to vector<5000x1xf32>
    %add3A_5 = arith.addf %add3A_4, %get3A_3 : vector<5000x1xf32>
    %get3A_6 = arith.constant 1 : index
    %get3A_7 = arith.constant 0 : index
    %get3A_8 = arith.constant 0 : index
    %get3A_9 = vector.load %arg1[%get3A_6, %get3A_7, %get3A_8] : memref<2x5000x8xf32, #tpu.memory_space<vmem>>, vector<1x5000x1xf32>
    %get3A_10 = vector.shape_cast %get3A_9 : vector<1x5000x1xf32> to vector<5000x1xf32>
    %add3A_11 = arith.addf %add3A_5, %get3A_10 : vector<5000x1xf32>
    %rsqrt3A = math.rsqrt %add3A_11 : vector<5000x1xf32>
    %get3A_12 = arith.constant 0 : index
    %get3A_13 = arith.constant 0 : index
    %get3A_14 = vector.load %arg2[%get3A_12, %get3A_13] : memref<5000x32xf32, #tpu.memory_space<vmem>>, vector<5000x32xf32>
    %mul3A = vector.broadcast %rsqrt3A : vector<5000x1xf32> to vector<5000x32xf32>
    %mul3A_15 = arith.mulf %get3A_14, %mul3A : vector<5000x32xf32>
    %swap3A = arith.constant 0 : index
    %swap3A_16 = arith.constant 0 : index
    %swap3A_17 = vector.load %arg3[%swap3A, %swap3A_16] : memref<5000x32xf32, #tpu.memory_space<vmem>>, vector<5000x32xf32>
    tpu.vector_store %arg3[%swap3A, %swap3A_16], %mul3A_15 {strides = array<i32>} : memref<5000x32xf32, #tpu.memory_space<vmem>>, vector<5000x32xf32>,
    return
  }
  func.func @transform_0(%arg0: i32) -> (i32, i32, i32) {
    %c0_i32 = arith.constant 0 : i32
    %c0_i32_0 = arith.constant 0 : i32
    %c0_i32_1 = arith.constant 0 : i32
    return %c0_i32, %arg0, %c0_i32_0 : i32, i32, i32
  }
  func.func @transform_1(%arg0: i32) -> (i32, i32) {
    %c0_i32 = arith.constant 0 : i32
    %c0_i32_0 = arith.constant 0 : i32
    return %arg0, %c0_i32 : i32, i32
  }
  func.func @transform_2(%arg0: i32) -> (i32, i32) {
    %c0_i32 = arith.constant 0 : i32
    %c0_i32_0 = arith.constant 0 : i32
    return %arg0, %c0_i32 : i32, i32
  }
}

module attributes {stable_mosaic.version = 14 : i64} {
  func.func @body(%arg0: i32, %arg1: memref<5000x128xf32, #tpu.memory_space<vmem>>, %arg2: memref<128x32xf32, #tpu.memory_space<vmem>>, %arg3: memref<5000x32xf32, #tpu.memory_space<vmem>>) attributes {dimension_semantics = [#tpu.dimension_semantics<arbitrary>], iteration_bounds = array<i64: 2>, scalar_prefetch = 0 : i64, scratch_operands = 0 : i64, tpu.core_type = #tpu.core_type<tc>, window_params = [{transform_indices = @transform_0, window_bounds = array<i64: 5000, 128>}, {pipeline_mode = #tpu.pipeline_mode<synchronous>, transform_indices = @transform_1, window_bounds = array<i64: 128, 32>}, {transform_indices = @transform_2, window_bounds = array<i64: 5000, 32>}]} {
    %get3A = arith.constant 0 : index
    %get3A_0 = arith.constant 0 : index
    %get3A_1 = vector.load %arg1[%get3A, %get3A_0] : memref<5000x128xf32, #tpu.memory_space<vmem>>, vector<5000x128xf32>
    %get3A_2 = arith.constant 0 : index
    %get3A_3 = arith.constant 0 : index
    %get3A_4 = vector.load %arg2[%get3A_2, %get3A_3] : memref<128x32xf32, #tpu.memory_space<vmem>>, vector<128x32xf32>
    %dot_general3A = arith.constant dense<0.000000e+00> : vector<5000x32xf32>
    %dot_general3A_5 = tpu.matmul %get3A_1, %get3A_4, %dot_general3A {dimension_numbers = #tpu.dot_dimension_numbers<[1], [0], [0], [1], [0, 0, 1, 1], [], []>, transpose_lhs_hint = false} : vector<5000x128xf32>, vector<128x32xf32>, vector<5000x32xf32> -> vector<5000x32xf32>
    %swap3A = arith.constant 0 : index
    %swap3A_6 = arith.constant 0 : index
    %swap3A_7 = vector.load %arg3[%swap3A, %swap3A_6] : memref<5000x32xf32, #tpu.memory_space<vmem>>, vector<5000x32xf32>
    tpu.vector_store %arg3[%swap3A, %swap3A_6], %dot_general3A_5 {strides = array<i32>} : memref<5000x32xf32, #tpu.memory_space<vmem>>, vector<5000x32xf32>,
    return
  }
  func.func @transform_0(%arg0: i32) -> (i32, i32) {
    %c0_i32 = arith.constant 0 : i32
    %c0_i32_0 = arith.constant 0 : i32
    return %arg0, %c0_i32 : i32, i32
  }
  func.func @transform_1(%arg0: i32) -> (i32, i32) {
    %c0_i32 = arith.constant 0 : i32
    %c0_i32_0 = arith.constant 0 : i32
    %c0_i32_1 = arith.constant 0 : i32
    return %c0_i32, %c0_i32_0 : i32, i32
  }
  func.func @transform_2(%arg0: i32) -> (i32, i32) {
    %c0_i32 = arith.constant 0 : i32
    %c0_i32_0 = arith.constant 0 : i32
    return %arg0, %c0_i32 : i32, i32
  }
}

module attributes {stable_mosaic.version = 14 : i64} {
  func.func @body(%arg0: i32, %arg1: memref<2x5000x32xf32, #tpu.memory_space<vmem>>, %arg2: memref<2x5000x8xf32, #tpu.memory_space<vmem>>, %arg3: memref<5000x32xf32, #tpu.memory_space<vmem>>, %arg4: memref<1x32xf32, #tpu.memory_space<vmem>>, %arg5: memref<32x16xf32, #tpu.memory_space<vmem>>, %arg6: memref<5000x16xf32, #tpu.memory_space<vmem>>, %arg7: memref<5000x16xf32, #tpu.memory_space<vmem>>) attributes {dimension_semantics = [#tpu.dimension_semantics<arbitrary>], iteration_bounds = array<i64: 2>, scalar_prefetch = 0 : i64, scratch_operands = 0 : i64, tpu.core_type = #tpu.core_type<tc>, window_params = [{transform_indices = @transform_0, window_bounds = array<i64: 2, 5000, 32>}, {transform_indices = @transform_1, window_bounds = array<i64: 2, 5000, 8>}, {transform_indices = @transform_2, window_bounds = array<i64: 5000, 32>}, {pipeline_mode = #tpu.pipeline_mode<synchronous>, transform_indices = @transform_3, window_bounds = array<i64: 1, 32>}, {pipeline_mode = #tpu.pipeline_mode<synchronous>, transform_indices = @transform_4, window_bounds = array<i64: 32, 16>}, {transform_indices = @transform_5, window_bounds = array<i64: 5000, 16>}, {transform_indices = @transform_6, window_bounds = array<i64: 5000, 16>}]} {
    %get3A = arith.constant 0 : index
    %get3A_0 = arith.constant 0 : index
    %get3A_1 = arith.constant 0 : index
    %get3A_2 = vector.load %arg2[%get3A, %get3A_0, %get3A_1] : memref<2x5000x8xf32, #tpu.memory_space<vmem>>, vector<1x5000x1xf32>
    %get3A_3 = vector.shape_cast %get3A_2 : vector<1x5000x1xf32> to vector<5000x1xf32>
    %add3A = arith.constant 1.000000e+00 : f32
    %add3A_4 = vector.broadcast %add3A : f32 to vector<5000x1xf32>
    %add3A_5 = arith.addf %add3A_4, %get3A_3 : vector<5000x1xf32>
    %get3A_6 = arith.constant 1 : index
    %get3A_7 = arith.constant 0 : index
    %get3A_8 = arith.constant 0 : index
    %get3A_9 = vector.load %arg2[%get3A_6, %get3A_7, %get3A_8] : memref<2x5000x8xf32, #tpu.memory_space<vmem>>, vector<1x5000x1xf32>
    %get3A_10 = vector.shape_cast %get3A_9 : vector<1x5000x1xf32> to vector<5000x1xf32>
    %add3A_11 = arith.addf %add3A_5, %get3A_10 : vector<5000x1xf32>
    %rsqrt3A = math.rsqrt %add3A_11 : vector<5000x1xf32>
    %div3A = arith.constant 1.000000e+00 : f32
    %div3A_12 = vector.broadcast %div3A : f32 to vector<5000x1xf32>
    %div3A_13 = arith.divf %div3A_12, %add3A_11 : vector<5000x1xf32>
    %get3A_14 = arith.constant 0 : index
    %get3A_15 = arith.constant 0 : index
    %get3A_16 = arith.constant 0 : index
    %get3A_17 = vector.load %arg1[%get3A_14, %get3A_15, %get3A_16] : memref<2x5000x32xf32, #tpu.memory_space<vmem>>, vector<1x5000x32xf32>
    %get3A_18 = vector.shape_cast %get3A_17 : vector<1x5000x32xf32> to vector<5000x32xf32>
    %get3A_19 = arith.constant 1 : index
    %get3A_20 = arith.constant 0 : index
    %get3A_21 = arith.constant 0 : index
    %get3A_22 = vector.load %arg1[%get3A_19, %get3A_20, %get3A_21] : memref<2x5000x32xf32, #tpu.memory_space<vmem>>, vector<1x5000x32xf32>
    %get3A_23 = vector.shape_cast %get3A_22 : vector<1x5000x32xf32> to vector<5000x32xf32>
    %add3A_24 = arith.addf %get3A_18, %get3A_23 : vector<5000x32xf32>
    %mul3A = vector.broadcast %rsqrt3A : vector<5000x1xf32> to vector<5000x32xf32>
    %mul3A_25 = arith.mulf %mul3A, %add3A_24 : vector<5000x32xf32>
    %get3A_26 = arith.constant 0 : index
    %get3A_27 = arith.constant 0 : index
    %get3A_28 = vector.load %arg3[%get3A_26, %get3A_27] : memref<5000x32xf32, #tpu.memory_space<vmem>>, vector<5000x32xf32>
    %mul3A_29 = vector.broadcast %div3A_13 : vector<5000x1xf32> to vector<5000x32xf32>
    %mul3A_30 = arith.mulf %get3A_28, %mul3A_29 : vector<5000x32xf32>
    %add3A_31 = arith.addf %mul3A_25, %mul3A_30 : vector<5000x32xf32>
    %get3A_32 = arith.constant 0 : index
    %get3A_33 = arith.constant 0 : index
    %get3A_34 = vector.load %arg4[%get3A_32, %get3A_33] : memref<1x32xf32, #tpu.memory_space<vmem>>, vector<1x32xf32>
    %add3A_35 = vector.broadcast %get3A_34 : vector<1x32xf32> to vector<5000x32xf32>
    %add3A_36 = arith.addf %add3A_31, %add3A_35 : vector<5000x32xf32>
    %max3A = arith.constant 0.000000e+00 : f32
    %max3A_37 = vector.broadcast %max3A : f32 to vector<5000x32xf32>
    %max3A_38 = arith.maximumf %add3A_36, %max3A_37 : vector<5000x32xf32>
    %get3A_39 = arith.constant 0 : index
    %get3A_40 = arith.constant 0 : index
    %get3A_41 = vector.load %arg5[%get3A_39, %get3A_40] : memref<32x16xf32, #tpu.memory_space<vmem>>, vector<32x16xf32>
    %dot_general3A = arith.constant dense<0.000000e+00> : vector<5000x16xf32>
    %dot_general3A_42 = tpu.matmul %max3A_38, %get3A_41, %dot_general3A {dimension_numbers = #tpu.dot_dimension_numbers<[1], [0], [0], [1], [0, 0, 1, 1], [], []>, transpose_lhs_hint = false} : vector<5000x32xf32>, vector<32x16xf32>, vector<5000x16xf32> -> vector<5000x16xf32>
    %swap3A = arith.constant 0 : index
    %swap3A_43 = arith.constant 0 : index
    %swap3A_44 = vector.load %arg6[%swap3A, %swap3A_43] : memref<5000x16xf32, #tpu.memory_space<vmem>>, vector<5000x16xf32>
    tpu.vector_store %arg6[%swap3A, %swap3A_43], %dot_general3A_42 {strides = array<i32>} : memref<5000x16xf32, #tpu.memory_space<vmem>>, vector<5000x16xf32>,
    %mul3A_45 = vector.broadcast %rsqrt3A : vector<5000x1xf32> to vector<5000x16xf32>
    %mul3A_46 = arith.mulf %dot_general3A_42, %mul3A_45 : vector<5000x16xf32>
    %swap3A_47 = arith.constant 0 : index
    %swap3A_48 = arith.constant 0 : index
    %swap3A_49 = vector.load %arg7[%swap3A_47, %swap3A_48] : memref<5000x16xf32, #tpu.memory_space<vmem>>, vector<5000x16xf32>
    tpu.vector_store %arg7[%swap3A_47, %swap3A_48], %mul3A_46 {strides = array<i32>} : memref<5000x16xf32, #tpu.memory_space<vmem>>, vector<5000x16xf32>,
    return
  }
  func.func @transform_0(%arg0: i32) -> (i32, i32, i32) {
    %c0_i32 = arith.constant 0 : i32
    %c0_i32_0 = arith.constant 0 : i32
    %c0_i32_1 = arith.constant 0 : i32
    return %c0_i32, %arg0, %c0_i32_0 : i32, i32, i32
  }
  func.func @transform_1(%arg0: i32) -> (i32, i32, i32) {
    %c0_i32 = arith.constant 0 : i32
    %c0_i32_0 = arith.constant 0 : i32
    %c0_i32_1 = arith.constant 0 : i32
    return %c0_i32, %arg0, %c0_i32_0 : i32, i32, i32
  }
  func.func @transform_2(%arg0: i32) -> (i32, i32) {
    %c0_i32 = arith.constant 0 : i32
    %c0_i32_0 = arith.constant 0 : i32
    return %arg0, %c0_i32 : i32, i32
  }
  func.func @transform_3(%arg0: i32) -> (i32, i32) {
    %c0_i32 = arith.constant 0 : i32
    %c0_i32_0 = arith.constant 0 : i32
    %c0_i32_1 = arith.constant 0 : i32
    return %c0_i32, %c0_i32_0 : i32, i32
  }
  func.func @transform_4(%arg0: i32) -> (i32, i32) {
    %c0_i32 = arith.constant 0 : i32
    %c0_i32_0 = arith.constant 0 : i32
    %c0_i32_1 = arith.constant 0 : i32
    return %c0_i32, %c0_i32_0 : i32, i32
  }
  func.func @transform_5(%arg0: i32) -> (i32, i32) {
    %c0_i32 = arith.constant 0 : i32
    %c0_i32_0 = arith.constant 0 : i32
    return %arg0, %c0_i32 : i32, i32
  }
  func.func @transform_6(%arg0: i32) -> (i32, i32) {
    %c0_i32 = arith.constant 0 : i32
    %c0_i32_0 = arith.constant 0 : i32
    return %arg0, %c0_i32 : i32, i32
  }
}

module attributes {stable_mosaic.version = 14 : i64} {
  func.func @body(%arg0: i32, %arg1: memref<2x5000x16xf32, #tpu.memory_space<vmem>>, %arg2: memref<2x5000x8xf32, #tpu.memory_space<vmem>>, %arg3: memref<5000x16xf32, #tpu.memory_space<vmem>>, %arg4: memref<1x16xf32, #tpu.memory_space<vmem>>, %arg5: memref<5000x16xf32, #tpu.memory_space<vmem>>) attributes {dimension_semantics = [#tpu.dimension_semantics<arbitrary>], iteration_bounds = array<i64: 2>, scalar_prefetch = 0 : i64, scratch_operands = 0 : i64, tpu.core_type = #tpu.core_type<tc>, window_params = [{transform_indices = @transform_0, window_bounds = array<i64: 2, 5000, 16>}, {transform_indices = @transform_1, window_bounds = array<i64: 2, 5000, 8>}, {transform_indices = @transform_2, window_bounds = array<i64: 5000, 16>}, {pipeline_mode = #tpu.pipeline_mode<synchronous>, transform_indices = @transform_3, window_bounds = array<i64: 1, 16>}, {transform_indices = @transform_4, window_bounds = array<i64: 5000, 16>}]} {
    %get3A = arith.constant 0 : index
    %get3A_0 = arith.constant 0 : index
    %get3A_1 = arith.constant 0 : index
    %get3A_2 = vector.load %arg2[%get3A, %get3A_0, %get3A_1] : memref<2x5000x8xf32, #tpu.memory_space<vmem>>, vector<1x5000x1xf32>
    %get3A_3 = vector.shape_cast %get3A_2 : vector<1x5000x1xf32> to vector<5000x1xf32>
    %add3A = arith.constant 1.000000e+00 : f32
    %add3A_4 = vector.broadcast %add3A : f32 to vector<5000x1xf32>
    %add3A_5 = arith.addf %add3A_4, %get3A_3 : vector<5000x1xf32>
    %get3A_6 = arith.constant 1 : index
    %get3A_7 = arith.constant 0 : index
    %get3A_8 = arith.constant 0 : index
    %get3A_9 = vector.load %arg2[%get3A_6, %get3A_7, %get3A_8] : memref<2x5000x8xf32, #tpu.memory_space<vmem>>, vector<1x5000x1xf32>
    %get3A_10 = vector.shape_cast %get3A_9 : vector<1x5000x1xf32> to vector<5000x1xf32>
    %add3A_11 = arith.addf %add3A_5, %get3A_10 : vector<5000x1xf32>
    %rsqrt3A = math.rsqrt %add3A_11 : vector<5000x1xf32>
    %div3A = arith.constant 1.000000e+00 : f32
    %div3A_12 = vector.broadcast %div3A : f32 to vector<5000x1xf32>
    %div3A_13 = arith.divf %div3A_12, %add3A_11 : vector<5000x1xf32>
    %get3A_14 = arith.constant 0 : index
    %get3A_15 = arith.constant 0 : index
    %get3A_16 = arith.constant 0 : index
    %get3A_17 = vector.load %arg1[%get3A_14, %get3A_15, %get3A_16] : memref<2x5000x16xf32, #tpu.memory_space<vmem>>, vector<1x5000x16xf32>
    %get3A_18 = vector.shape_cast %get3A_17 : vector<1x5000x16xf32> to vector<5000x16xf32>
    %get3A_19 = arith.constant 1 : index
    %get3A_20 = arith.constant 0 : index
    %get3A_21 = arith.constant 0 : index
    %get3A_22 = vector.load %arg1[%get3A_19, %get3A_20, %get3A_21] : memref<2x5000x16xf32, #tpu.memory_space<vmem>>, vector<1x5000x16xf32>
    %get3A_23 = vector.shape_cast %get3A_22 : vector<1x5000x16xf32> to vector<5000x16xf32>
    %add3A_24 = arith.addf %get3A_18, %get3A_23 : vector<5000x16xf32>
    %mul3A = vector.broadcast %rsqrt3A : vector<5000x1xf32> to vector<5000x16xf32>
    %mul3A_25 = arith.mulf %mul3A, %add3A_24 : vector<5000x16xf32>
    %get3A_26 = arith.constant 0 : index
    %get3A_27 = arith.constant 0 : index
    %get3A_28 = vector.load %arg3[%get3A_26, %get3A_27] : memref<5000x16xf32, #tpu.memory_space<vmem>>, vector<5000x16xf32>
    %mul3A_29 = vector.broadcast %div3A_13 : vector<5000x1xf32> to vector<5000x16xf32>
    %mul3A_30 = arith.mulf %get3A_28, %mul3A_29 : vector<5000x16xf32>
    %add3A_31 = arith.addf %mul3A_25, %mul3A_30 : vector<5000x16xf32>
    %get3A_32 = arith.constant 0 : index
    %get3A_33 = arith.constant 0 : index
    %get3A_34 = vector.load %arg4[%get3A_32, %get3A_33] : memref<1x16xf32, #tpu.memory_space<vmem>>, vector<1x16xf32>
    %add3A_35 = vector.broadcast %get3A_34 : vector<1x16xf32> to vector<5000x16xf32>
    %add3A_36 = arith.addf %add3A_31, %add3A_35 : vector<5000x16xf32>
    %swap3A = arith.constant 0 : index
    %swap3A_37 = arith.constant 0 : index
    %swap3A_38 = vector.load %arg5[%swap3A, %swap3A_37] : memref<5000x16xf32, #tpu.memory_space<vmem>>, vector<5000x16xf32>
    tpu.vector_store %arg5[%swap3A, %swap3A_37], %add3A_36 {strides = array<i32>} : memref<5000x16xf32, #tpu.memory_space<vmem>>, vector<5000x16xf32>,
    return
  }
  func.func @transform_0(%arg0: i32) -> (i32, i32, i32) {
    %c0_i32 = arith.constant 0 : i32
    %c0_i32_0 = arith.constant 0 : i32
    %c0_i32_1 = arith.constant 0 : i32
    return %c0_i32, %arg0, %c0_i32_0 : i32, i32, i32
  }
  func.func @transform_1(%arg0: i32) -> (i32, i32, i32) {
    %c0_i32 = arith.constant 0 : i32
    %c0_i32_0 = arith.constant 0 : i32
    %c0_i32_1 = arith.constant 0 : i32
    return %c0_i32, %arg0, %c0_i32_0 : i32, i32, i32
  }
  func.func @transform_2(%arg0: i32) -> (i32, i32) {
    %c0_i32 = arith.constant 0 : i32
    %c0_i32_0 = arith.constant 0 : i32
    return %arg0, %c0_i32 : i32, i32
  }
  func.func @transform_3(%arg0: i32) -> (i32, i32) {
    %c0_i32 = arith.constant 0 : i32
    %c0_i32_0 = arith.constant 0 : i32
    %c0_i32_1 = arith.constant 0 : i32
    return %c0_i32, %c0_i32_0 : i32, i32
  }
  func.func @transform_4(%arg0: i32) -> (i32, i32) {
    %c0_i32 = arith.constant 0 : i32
    %c0_i32_0 = arith.constant 0 : i32
    return %arg0, %c0_i32 : i32, i32
  }
}

</mosaic_0001>

<sc_bundles>
// kernel: kernel.12.cloned.1.call-start
scs
__scs_entry_jumppad:
0x0: {  	(pc) =	sbr.rel $0x88, $3  }
0x1: {  	(tag) =	ssettag $0x0;
	lr =	simm.s32 $0x1  }
0x2: {  	[smem:$0x3F9B] =	sst lr;
	_ =	strace $0xD0000000  }
0x3: {  	_ = 	snop  }
0x4: {  	_ = 	snop  }
0x5: {  	_ = 	snop  }
0x6: {  	_ = 	snop  }
0x7: {  	_ = 	snop  }
__scs_overlays_trampoline_lowered:
0x8: {  	[smem:$0x3FAA] =	sst s0  }
0x9: {  	[smem:$0x3FAB] =	sst s1  }
0xa: {  	[smem:$0x3FAC] =	sst s2  }
0xb: {  	[smem:$0x3FAD] =	sst s3  }
0xc: {  	[smem:$0x3FAE] =	sst s4  }
0xd: {  	[smem:$0x3FAF] =	sst s5  }
0xe: {  	[smem:$0x3FB0] =	sst s6  }
0xf: {  	[smem:$0x3FB1] =	sst s7  }
0x10: {  	[smem:$0x3FB2] =	sst s8  }
0x11: {  	[smem:$0x3FB3] =	sst s9;
	s0 =	simm.s32 @!p0 $0x0  }
0x12: {  	s1 =	sld [smem:$0x3F99];
	s0 =	simm.s32 @p0 $0x1  }
0x13: {  	[smem:$0x3FB4] =	sst s0;
	s0 =	simm.s32 @!p1 $0x0  }
0x14: {  	s2 =	sld [smem:$0x3F98];
	s0 =	simm.s32 @p1 $0x1  }
0x15: {  	[smem:$0x3FB5] =	sst s0;
	s0 =	simm.s32 @!p2 $0x0  }
0x16: {  	s3 =	sld [smem:$0x3FDB];
	s0 =	simm.s32 @p2 $0x1  }
0x17: {  	s4 =	simm.s32 $0x1BF5;
	[smem:$0x3FB7] =	sst s0  }
0x18: {  	s0 =	sld [smem:$0x3F9A];
	_ =	swait.ge [sflag:s4], $0x0  }
0x19: {  	s7 =	sld [smem:$0x3F9B]  }
0x1a: {  	s8 =	sadd.s32 $0xFFFFE003, lr  }
0x1b: {  	s9 =	sadd.s32 $0xFFFFFEF7, lr;
	s5 =	simm.s32 $0xFFFFFFFF;
	p2 =	slt.u32 s8, $0xFFFFF086  }
0x1c: {  	p1 =	slt.u32 s9, $0xF7A;
	s5 =	simm.s32 @!p2 $0x0  }
0x1d: {  	s5 =	simm.s32 @p1 $0x1;
	p0 =	seq.s32 s7, s2  }
0x1e: {  	s7 =	smul.u32 @!p0 $0xF7A, s2;
	p2 =	seq.s32 @!p0 s5, $0x0  }
0x1f: {  	s9 =	smul.u32 $0xF7A, s1;
	s8 =	simm.s32 @!p0 $0x1BF5;
	p2 =	por !p2, p0  }
0x20: {  	[sflag:s8] =	ssyncset.s32 @!p0 $0xFFFFF086;
	s6 =	sadd.s32 @!p0 s3, s7;
	s7 =	simm.s32 @!p0 $0x108  }
0x21: {  	s3 =	sadd.s32 s3, s9;
	s6 =	sadd.s32 @!p0 $0x88, s6;
	s7 =	simm.s32 @p2 $0x1082  }
0x22: {  	[simem:s7], [sflag:s8] =	dma.local @!p0 [hbm:s6], $0xF7A  }
0x23: {  	s9 =	sor.u32 $0xD0000000, s2;
	s6 =	simm.s32 $0x108;
	_ =	swait.ge @!p0 [sflag:s8], $0x0  }
0x24: {  	s3 =	sadd.s32 $0x88, s3;
	s6 =	simm.s32 @!p1 $0x1082;
	[sflag:s4] =	ssyncset.s32 $0xFFFFF086  }
0x25: {  	[simem:s6], [sflag:s4] =	dma.local [hbm:s3], $0xF7A  }
0x26: {  	[smem:$0x3F9B] =	sst s1;
	(tag) =	ssettag s2;
	_ =	strace s9  }
0x27: {  	s1 =	sld [smem:$0x3FAB]  }
0x28: {  	s2 =	sld [smem:$0x3FAC]  }
0x29: {  	s4 =	sld [smem:$0x3FAE]  }
0x2a: {  	p0 =	seq.s32 s5, $0x0;
	s5 =	sld [smem:$0x3FAF]  }
0x2b: {  	s6 =	sld [smem:$0x3FB0]  }
0x2c: {  	s7 =	sld [smem:$0x3FB1]  }
0x2d: {  	s3 =	simm.s32 $0x108;
	s8 =	sld [smem:$0x3FB2]  }
0x2e: {  	s3 =	simm.s32 @!p0 $0x1082;
	s9 =	sld [smem:$0x3FB3]  }
0x2f: {  	lr =	sadd.s32 s0, s3;
	s0 =	sld [smem:$0x3FAA]  }
0x30: {  	s3 =	sld [smem:$0x3FAD]  }
0x31: {  	[smem:$0x3FB6] =	sst s10  }
0x32: {  	s10 =	sld [smem:$0x3FB4];
	_ =	sdelay $0x3  }
0x33: {  	p0 =	seq.s32 s10, $0x1;
	s10 =	sld [smem:$0x3FB6];
	_ =	sdelay $0x3  }
0x34: {  	[smem:$0x3FB6] =	sst s10  }
0x35: {  	s10 =	sld [smem:$0x3FB5];
	_ =	sdelay $0x3  }
0x36: {  	p1 =	seq.s32 s10, $0x1;
	s10 =	sld [smem:$0x3FB6];
	_ =	sdelay $0x3  }
0x37: {  	[smem:$0x3FB6] =	sst s10  }
0x38: {  	s10 =	sld [smem:$0x3FB7]  }
0x39: {  	_ = 	snop;
	(pc) =	sbr.ind lr, $3  }
0x3a: {  	_ = 	snop  }
0x3b: {  	_ = 	snop  }
0x3c: {  	p2 =	seq.s32 s10, $0x1;
	s10 =	sld [smem:$0x3FB6]  }
0x3d: {  	_ =	shalt  }
0x3e: {  	_ =	shalt  }
0x3f: {  	_ =	shalt  }
0x40: {  	_ =	shalt  }
0x41: {  	_ =	shalt  }
0x42: {  	_ =	shalt  }
0x43: {  	_ =	shalt  }
0x44: {  	_ =	shalt  }
0x45: {  	_ =	shalt  }
0x46: {  	_ =	shalt  }
0x47: {  	_ =	shalt  }
0x48: {  	_ =	shalt  }
0x49: {  	_ =	shalt  }
0x4a: {  	_ =	shalt  }
0x4b: {  	_ =	shalt  }
0x4c: {  	_ =	shalt  }
0x4d: {  	_ =	shalt  }
0x4e: {  	_ =	shalt  }
0x4f: {  	_ =	shalt  }
0x50: {  	_ =	shalt  }
0x51: {  	_ =	shalt  }
0x52: {  	_ =	shalt  }
0x53: {  	_ =	shalt  }
0x54: {  	_ =	shalt  }
0x55: {  	_ =	shalt  }
0x56: {  	_ =	shalt  }
0x57: {  	_ =	shalt  }
0x58: {  	_ =	shalt  }
0x59: {  	_ =	shalt  }
0x5a: {  	_ =	shalt  }
0x5b: {  	_ =	shalt  }
0x5c: {  	_ =	shalt  }
0x5d: {  	_ =	shalt  }
0x5e: {  	_ =	shalt  }
0x5f: {  	_ =	shalt  }
0x60: {  	_ =	shalt  }
0x61: {  	_ =	shalt  }
0x62: {  	_ =	shalt  }
0x63: {  	_ =	shalt  }
0x64: {  	_ =	shalt  }
0x65: {  	_ =	shalt  }
0x66: {  	_ =	shalt  }
0x67: {  	_ =	shalt  }
0x68: {  	_ =	shalt  }
0x69: {  	_ =	shalt  }
0x6a: {  	_ =	shalt  }
0x6b: {  	_ =	shalt  }
0x6c: {  	_ =	shalt  }
0x6d: {  	_ =	shalt  }
0x6e: {  	_ =	shalt  }
0x6f: {  	_ =	shalt  }
0x70: {  	_ =	shalt  }
0x71: {  	_ =	shalt  }
0x72: {  	_ =	shalt  }
0x73: {  	_ =	shalt  }
0x74: {  	_ =	shalt  }
0x75: {  	_ =	shalt  }
0x76: {  	_ =	shalt  }
0x77: {  	_ =	shalt  }
0x78: {  	_ =	shalt  }
0x79: {  	_ =	shalt  }
0x7a: {  	_ =	shalt  }
0x7b: {  	_ =	shalt  }
0x7c: {  	_ =	shalt  }
0x7d: {  	_ =	shalt  }
0x7e: {  	_ =	shalt  }
0x7f: {  	_ =	shalt  }
0x80: {  	_ =	shalt  }
0x81: {  	_ =	shalt  }
0x82: {  	_ =	shalt  }
0x83: {  	_ =	shalt  }
0x84: {  	_ =	shalt  }
0x85: {  	_ =	shalt  }
0x86: {  	_ =	shalt  }
0x87: {  	_ =	shalt  }
.Lfunc_end0:
.L_simem_size_0:
called_computation.1_lowered:
.L_overlay_start_0:
0x88: {  	s2 =	sld [smem:$0x3FD9]  }
0x89: {  	s3 =	sld [smem:$0x3FFE];
	_ =	sdelay $0x1  }
0x8a: {  	s1 =	srdreg.scid  }
0x8b: {  	s0 =	sand.u32 $0x1, s1  }
0x8c: {  	s16 =	sshll.u32 s0, $0xA;
	s2 =	sadd.s32 s3, s2  }
0x8d: {  	s2 =	sadd.s32 s2, s16  }
0x8e: {  	[smem:$0x3FC2] =	sst s2  }
0x8f: {  	_ = 	snop  }
0x90: {  	(tm) =	ssettm $0x1  }
0x91: {  	s17 =	sld [smem:$0x3FFB];
	_ =	sdelay $0x3  }
0x92: {  	_ =	strace s17  }
0x93: {  	s2 =	sld [smem:$0x3FFC];
	_ =	sdelay $0x3  }
0x94: {  	_ =	strace s2  }
0x95: {  	s2 =	sld [smem:$0x3FFD];
	_ =	sdelay $0x3  }
0x96: {  	_ =	strace s2  }
0x97: {  	_ =	strace $0x8FFFFFFF  }
0x98: {  	s18 =	sld [smem:$0x3FDB];
	_ =	sdelay $0x1  }
0x99: {  	s19 =	simm.s32 $_scs_section_size  }
0x9a: {  	s4 =	simm.s32 $_size__tile_overlayer_lowered;
	s5 =	simm.s32 $_tile_overlayer_lowered  }
0x9b: {  	s22 =	simm.s32 $0x1BFF;
	s21 =	sshll.u32 s5, $0x1;
	s2 =	sadd.s32 s19, s18  }
0x9c: {  	s6 =	simm.s32 $0x0;
	s20 =	sshll.u32 s4, $0x1;
	s4 =	sadd.s32 s21, s2  }
0x9d: {  	[timem:s6], [sflag:s22] =	dma.local [hbm:s4], s20  }
0x9e: {  	_ =	swait.ge [sflag:s22], s20  }
0x9f: {  	s3 =	ssub.s32 $0x0, s20;
	[sflag:s22] =	ssyncset.done $0x0  }
0xa0: {  	[sflag:s22] =	ssyncadd.s32 s3;
	_ =	sdelay $0x1  }
0xa1: {  	s23 =	simm.s32 $0x1B8B  }
0xa2: {  	_ =	swait.ge [sflag:s23], $0x1  }
0xa3: {  	[sflag:s23] =	ssyncset.done $0x0  }
0xa4: {  	s25 =	simm.s32 $0x1B8E;
	s24 =	sld [smem:$0x3FFE];
	[sflag:s23] =	ssyncadd.s32 $0xFFFFFFFF  }
0xa5: {  	s26 =	simm.s32 $execute0_lowered;
	[smem:$0x3FD2] =	sst s25  }
0xa6: {  	s4 =	sshll.u32 s26, $0x1;
	_ =	strace $0x80000049;
	[dreg:$0x1] =	wrdreg $0xFFFFFFFF  }
0xa7: {  	s28 =	simm.s32 $_size_execute0_lowered;
	s2 =	sadd.s32 s2, s4;
	[dreg:$0x0] =	wrdreg $0x0  }
0xa8: {  	s4 =	sshll.u32 s28, $0x1;
	[dreg:$0x2] =	wrdreg s2  }
0xa9: {  	[dreg:$0x3] =	wrdreg s4  }
0xaa: {  	[dreg:$0x4] =	wrdreg $0xC0  }
0xab: {  	_ =	task [dreg:s6], $0x5FFFF  }
0xac: {  	[dreg:$0x1] =	wrdreg $0xFFFFFFFF  }
0xad: {  	[dreg:$0x0] =	wrdreg $0x60  }
0xae: {  	[dreg:$0x2] =	wrdreg s24  }
0xaf: {  	[dreg:$0x3] =	wrdreg $0xD2F00  }
0xb0: {  	[dreg:$0x4] =	wrdreg $0x9  }
0xb1: {  	_ =	task.clear_ibuf [dreg:s6], $0x5FFFF;
	_ =	strace $0x90000049  }
0xb2: {  	s29 =	simm.s32 $0x9;
	_ =	strace $0x8000004B  }
0xb3: {  	_ =	swait.ge [sflag:s29], $0x1  }
0xb4: {  	[sflag:s29] =	ssyncadd.s32 $0xFFFFFFFF  }
0xb5: {  	_ =	strace $0x9000004B  }
0xb6: {  	_ =	sfence  }
0xb7: {  	s30 =	sld [smem:$0x0];
	_ =	sdelay $0x2  }
0xb8: {  	s31 =	sshll.u32 s1, $0xD;
	s1 =	sshrl.u32 s1, $0x2  }
0xb9: {  	s3 =	sand.u32 $0x4000, s31;
	s1 =	sadd.s32 s1, s30  }
0xba: {  	s0 =	sor.u32 s3, s0;
	s1 =	sshll.u32 s1, $0x11  }
0xbb: {  	s0 =	sor.u32 s1, s0  }
0xbc: {  	s0 =	sadd.s32 $0x8F2B, s0  }
0xbd: {  	[sflag:s0] =	ssyncadd.remote.s32 $0x1  }
0xbe: {  	_ =	sfence.sel $0xFFFF  }
0xbf: {  	[dreg:$0x0] =	wrdreg $0xFFFFFFFF;
	(pc) =	sbr.abs _section_cstart, $3  }
0xc0: {  	[dreg:$0x1] =	wrdreg $0xFFFFFFFF  }
0xc1: {  	_ =	task.clear_ibuf [dreg:s6], $0x2FFFF;
	_ =	strace $0x9FFFFFFF  }
0xc2: {  	(tm) =	ssettm $0x7FFFFFFF  }
0xc3: {  	_ =	shalt  }
tec
execute0_lowered:
.L_overlay_start_1:
0x0: {  	(tag) =	ssettag $0x1  }
0x1: {  	s0 =	rddreg [dreg:$0x0]  }
0x2: {  	s2 =	rddreg [dreg:$0x1];
	s8 =	stileid.u32  }
0x3: {  	s1 =	srdreg.scid;
	s4 =	smul.u32 $0x5000, s8  }
0x4: {  	s3 =	simm.s32 $0x0;
	s14 =	sand.u32 $0x1, s1;
	s21 =	smul.u32 $0x2AF8, s8  }
0x5: {  	[smem:$0x7FF] =	sst s3;
	s5 =	sadd.s32 $0x2A00, s0;
	s7 =	smul.u32 $0x2328, s8  }
0x6: {  	s25 =	sshll.u32 s8, $0x6;
	s1 =	smul.u32 $0x50000, s14;
	s6 =	sshrl.u32 s4, $0x3  }
0x7: {  	_ =	strace $0x8000004A;
	s3 =	sshrl.u32 s21, $0x3;
	s6 =	sadd.s32 s6, s0  }
0x8: {  	s23 =	sshrl.u32 s7, $0x3;
	s3 =	sadd.s32 s5, s3;
	s6 =	sadd.s32 $0x9C800, s6  }
0x9: {  	s1 =	sadd.s32 s4, s1;
	s22 =	sadd.s32 $0x4650, s3;
	[dreg:$0x3] =	wrdreg s6  }
0xa: {  	s9 =	sadd.s32 s5, s23;
	s3 =	sadd.s32 $0xE290, s3;
	[dreg:$0x4] =	wrdreg s22  }
0xb: {  	s1 =	sshrl.u32 s1, $0x3;
	s5 =	sadd.s32 $0x9C40, s9;
	[dreg:$0x5] =	wrdreg s3  }
0xc: {  	s24 =	sadd.s32 s4, s2;
	s1 =	sadd.s32 s1, s0;
	[dreg:$0x6] =	wrdreg s5  }
0xd: {  	s4 =	sor.u32 $0x1C01, s25;
	s26 =	rddreg [dreg:$0x3];
	s1 =	sadd.s32 $0xA6800, s1  }
0xe: {  	s6 =	sshrl.u32 s24, $0x3;
	s5 =	simm.s32 $0x1;
	[dreg:$0x7] =	wrdreg s1  }
0xf: {  	[spmem:s6], [sflag:s4] =	dma.local [hbm:s26], $0xA00  }
0x10: {  	p0 =	sne.s32 s14, $0x0;
	_ =	swait.ge [sflag:s5], $0xA00  }
0x11: {  	s7 =	simm.s32 @p0 $0x0;
	[sflag:s5] =	ssyncset.done $0x0  }
0x12: {  	s8 =	simm.s32 @p0 $0x1;
	s1 =	rddreg [dreg:$0x4];
	[sflag:s5] =	ssyncadd.s32 $0xFFFFF600  }
0x13: {  	[tilespmem:s7], [sflag:$0x1] =	stream.linear.gather @p0 [hbm4b:s1+s7], $0x2AF8, $0x38;
	[tilespmem:$0x122F0] =	vst v63  }
0x14: {  	_ =	swait.ge @p0 [sflag:s8], $0x2AF8  }
0x15: {  	[sflag:s8] =	ssyncset.done @p0 $0x0  }
0x16: {  	s3 =	simm.s32 @p0 $0x2AF8;
	s1 =	rddreg [dreg:$0x5];
	[sflag:s8] =	ssyncadd.s32 @p0 $0xFFFFD508  }
0x17: {  	[tilespmem:s3], [sflag:$0x1] =	stream.linear.gather @p0 [hbm4b:s1+s7], $0x2AF8, $0x38;
	[tilespmem:$0x122F0] =	vst v63  }
0x18: {  	_ =	swait.ge @p0 [sflag:s8], $0x2AF8  }
0x19: {  	[sflag:s8] =	ssyncset.done @p0 $0x0  }
0x1a: {  	s10 =	sadd.s32 $0x92A00, s0;
	[sflag:s8] =	ssyncadd.s32 @p0 $0xFFFFD508  }
0x1b: {  	s11 =	simm.s32 @p0 $0x3E8;
	s12 =	simm.s32 @p0 $0x55F0;
	[bflag:$0x0] =	sbarrier.arrive @p0 $0xFFFF  }
0x1c: {  	[tilespmem:s12], [sflag:$0x1] =	stream.indirect.gather @p0 [hbm4b:s10+s11], $0x20, s7, s11, $0xb8;
	[tilespmem:$0x122F0] =	vst v63  }
0x1d: {  	_ =	swait.ge @p0 [sflag:s8], $0x7D00  }
0x1e: {  	[sflag:s8] =	ssyncset.done @p0 $0x0  }
0x1f: {  	[sflag:s8] =	ssyncadd.s32 @p0 $0xFFFF8300  }
0x20: {  	[spmem:s2] =	stream.indirect.scatter.add.f32 @p0 [tilespmem:s12], [sflag:$0x1], $0x20, s3, s11, $0xb8;
	[tilespmem:$0x122F0] =	vst v63  }
0x21: {  	_ =	swait.ge @p0 [sflag:s8], $0x7D00  }
0x22: {  	[sflag:s8] =	ssyncset.done @p0 $0x0  }
0x23: {  	[sflag:s8] =	ssyncadd.s32 @p0 $0xFFFF8300  }
0x24: {  	[tilespmem:s12], [sflag:$0x1] =	stream.indirect.gather @p0 [hbm4b:s10+s11], $0x20, s11, s11, $0xb8;
	[tilespmem:$0x122F0] =	vst v63  }
0x25: {  	_ =	swait.ge @p0 [sflag:s8], $0x7D00  }
0x26: {  	[sflag:s8] =	ssyncset.done @p0 $0x0  }
0x27: {  	s0 =	simm.s32 @p0 $0x2EE0;
	[sflag:s8] =	ssyncadd.s32 @p0 $0xFFFF8300  }
0x28: {  	[spmem:s2] =	stream.indirect.scatter.add.f32 @p0 [tilespmem:s12], [sflag:$0x1], $0x20, s0, s11, $0xb8;
	[tilespmem:$0x122F0] =	vst v63  }
0x29: {  	_ =	swait.ge @p0 [sflag:s8], $0x7D00  }
0x2a: {  	s15 =	simm.s32 @!p0 $0x1;
	[sflag:s8] =	ssyncset.done @p0 $0x0  }
0x2b: {  	s1 =	simm.s32 @!p0 $0x0;
	[dreg:$0x8] =	wrdreg s9;
	[sflag:s8] =	ssyncadd.s32 @p0 $0xFFFF8300  }
0x2c: {  	[tilespmem:s1], [sflag:$0x1] =	stream.linear.gather @!p0 [hbm4b:s9+s1], $0x2328, $0x38;
	[tilespmem:$0x122F0] =	vst v63  }
0x2d: {  	_ =	swait.ge @!p0 [sflag:s15], $0x2328  }
0x2e: {  	[sflag:s15] =	ssyncset.done @!p0 $0x0  }
0x2f: {  	s3 =	simm.s32 @!p0 $0x2AF8;
	s0 =	rddreg [dreg:$0x6];
	[sflag:s15] =	ssyncadd.s32 @!p0 $0xFFFFDCD8  }
0x30: {  	[tilespmem:s3], [sflag:$0x1] =	stream.linear.gather @!p0 [hbm4b:s0+s1], $0x2328, $0x38;
	[tilespmem:$0x122F0] =	vst v63  }
0x31: {  	_ =	swait.ge @!p0 [sflag:s15], $0x2328  }
0x32: {  	[sflag:s15] =	ssyncset.done @!p0 $0x0  }
0x33: {  	s0 =	simm.s32 @!p0 $0x0;
	[sflag:s15] =	ssyncadd.s32 @!p0 $0xFFFFDCD8  }
0x34: {  	s0 =	simm.s32 @p0 $0x7D0;
	[bflag:$0x0] =	sbarrier.arrive @!p0 $0xFFFF  }
0x35: {  	s17 =	simm.s32 $0x3E8;
	s19 =	simm.s32 $0x55F0;
	[dreg:$0x9] =	wrdreg s0  }
0x36: {  	[tilespmem:s19], [sflag:$0x1] =	stream.indirect.gather [hbm4b:s10+s17], $0x20, s0, s17, $0xb8;
	[tilespmem:$0x122F0] =	vst v63  }
0x37: {  	s0 =	simm.s32 @!p0 $0x2AF8;
	_ =	swait.ge [sflag:s5], $0x7D00  }
0x38: {  	s0 =	simm.s32 @p0 $0x32C8;
	[sflag:s5] =	ssyncset.done $0x0  }
0x39: {  	[dreg:$0xa] =	wrdreg s0;
	[sflag:s5] =	ssyncadd.s32 $0xFFFF8300  }
0x3a: {  	[spmem:s2] =	stream.indirect.scatter.add.f32 [tilespmem:s19], [sflag:$0x1], $0x20, s0, s17, $0xb8;
	[tilespmem:$0x122F0] =	vst v63  }
0x3b: {  	s0 =	simm.s32 @!p0 $0x3E8;
	_ =	swait.ge [sflag:s5], $0x7D00  }
0x3c: {  	s0 =	simm.s32 @p0 $0xBB8;
	[sflag:s5] =	ssyncset.done $0x0  }
0x3d: {  	[dreg:$0xb] =	wrdreg s0;
	[sflag:s5] =	ssyncadd.s32 $0xFFFF8300  }
0x3e: {  	[tilespmem:s19], [sflag:$0x1] =	stream.indirect.gather [hbm4b:s10+s17], $0x20, s0, s17, $0xb8;
	[tilespmem:$0x122F0] =	vst v63  }
0x3f: {  	_ =	swait.ge [sflag:s5], $0x7D00  }
0x40: {  	s0 =	simm.s32 @!p0 $0x2EE0;
	[sflag:s5] =	ssyncset.done $0x0  }
0x41: {  	s0 =	simm.s32 @p0 $0x36B0;
	[sflag:s5] =	ssyncadd.s32 $0xFFFF8300  }
0x42: {  	[spmem:s2] =	stream.indirect.scatter.add.f32 [tilespmem:s19], [sflag:$0x1], $0x20, s0, s17, $0xb8;
	[tilespmem:$0x122F0] =	vst v63  }
0x43: {  	_ =	swait.ge [sflag:s5], $0x7D00  }
0x44: {  	s23 =	simm.s32 @!p0 $0x7D0;
	[sflag:s5] =	ssyncset.done $0x0  }
0x45: {  	s23 =	simm.s32 @p0 $0xFA0;
	[sflag:s5] =	ssyncadd.s32 $0xFFFF8300  }
0x46: {  	[tilespmem:s19], [sflag:$0x1] =	stream.indirect.gather [hbm4b:s10+s17], $0x20, s23, s17, $0xb8;
	[tilespmem:$0x122F0] =	vst v63  }
0x47: {  	_ =	swait.ge [sflag:s5], $0x7D00  }
0x48: {  	s24 =	simm.s32 @!p0 $0x32C8;
	[sflag:s5] =	ssyncset.done $0x0  }
0x49: {  	s24 =	simm.s32 @p0 $0x3A98;
	[sflag:s5] =	ssyncadd.s32 $0xFFFF8300  }
0x4a: {  	[spmem:s2] =	stream.indirect.scatter.add.f32 [tilespmem:s19], [sflag:$0x1], $0x20, s24, s17, $0xb8;
	[tilespmem:$0x122F0] =	vst v63  }
0x4b: {  	_ =	swait.ge [sflag:s5], $0x7D00  }
0x4c: {  	s25 =	simm.s32 @!p0 $0xBB8;
	[sflag:s5] =	ssyncset.done $0x0  }
0x4d: {  	s25 =	simm.s32 @p0 $0x1388;
	[sflag:s5] =	ssyncadd.s32 $0xFFFF8300  }
0x4e: {  	[tilespmem:s19], [sflag:$0x1] =	stream.indirect.gather [hbm4b:s10+s17], $0x20, s25, s17, $0xb8;
	[tilespmem:$0x122F0] =	vst v63  }
0x4f: {  	_ =	swait.ge [sflag:s5], $0x7D00  }
0x50: {  	s26 =	simm.s32 @!p0 $0x36B0;
	[sflag:s5] =	ssyncset.done $0x0  }
0x51: {  	s26 =	simm.s32 @p0 $0x3E80;
	[sflag:s5] =	ssyncadd.s32 $0xFFFF8300  }
0x52: {  	[spmem:s2] =	stream.indirect.scatter.add.f32 [tilespmem:s19], [sflag:$0x1], $0x20, s26, s17, $0xb8;
	[tilespmem:$0x122F0] =	vst v63  }
0x53: {  	_ =	swait.ge [sflag:s5], $0x7D00  }
0x54: {  	s28 =	simm.s32 @!p0 $0xFA0;
	[sflag:s5] =	ssyncset.done $0x0  }
0x55: {  	s28 =	simm.s32 @p0 $0x1770;
	[sflag:s5] =	ssyncadd.s32 $0xFFFF8300  }
0x56: {  	[tilespmem:s19], [sflag:$0x1] =	stream.indirect.gather [hbm4b:s10+s17], $0x20, s28, s17, $0xb8;
	[tilespmem:$0x122F0] =	vst v63  }
0x57: {  	_ =	swait.ge [sflag:s5], $0x7D00  }
0x58: {  	s29 =	simm.s32 @!p0 $0x3A98;
	[sflag:s5] =	ssyncset.done $0x0  }
0x59: {  	s29 =	simm.s32 @p0 $0x4268;
	[sflag:s5] =	ssyncadd.s32 $0xFFFF8300  }
0x5a: {  	[spmem:s2] =	stream.indirect.scatter.add.f32 [tilespmem:s19], [sflag:$0x1], $0x20, s29, s17, $0xb8;
	[tilespmem:$0x122F0] =	vst v63  }
0x5b: {  	_ =	swait.ge [sflag:s5], $0x7D00  }
0x5c: {  	s30 =	simm.s32 @!p0 $0x1388;
	[sflag:s5] =	ssyncset.done $0x0  }
0x5d: {  	s30 =	simm.s32 @p0 $0x1B58;
	[sflag:s5] =	ssyncadd.s32 $0xFFFF8300  }
0x5e: {  	[tilespmem:s19], [sflag:$0x1] =	stream.indirect.gather [hbm4b:s10+s17], $0x20, s30, s17, $0xb8;
	[tilespmem:$0x122F0] =	vst v63  }
0x5f: {  	_ =	swait.ge [sflag:s5], $0x7D00  }
0x60: {  	s31 =	simm.s32 @!p0 $0x3E80;
	[sflag:s5] =	ssyncset.done $0x0  }
0x61: {  	s31 =	simm.s32 @p0 $0x4650;
	[sflag:s5] =	ssyncadd.s32 $0xFFFF8300  }
0x62: {  	[spmem:s2] =	stream.indirect.scatter.add.f32 [tilespmem:s19], [sflag:$0x1], $0x20, s31, s17, $0xb8;
	[tilespmem:$0x122F0] =	vst v63  }
0x63: {  	_ =	swait.ge [sflag:s5], $0x7D00  }
0x64: {  	s22 =	smov.u32 s0;
	s0 =	simm.s32 @!p0 $0x1770;
	[sflag:s5] =	ssyncset.done $0x0  }
0x65: {  	s0 =	simm.s32 @p0 $0x1F40;
	[sflag:s5] =	ssyncadd.s32 $0xFFFF8300  }
0x66: {  	[tilespmem:s19], [sflag:$0x1] =	stream.indirect.gather [hbm4b:s10+s17], $0x20, s0, s17, $0xb8;
	[tilespmem:$0x122F0] =	vst v63  }
0x67: {  	_ =	swait.ge [sflag:s5], $0x7D00  }
0x68: {  	s1 =	simm.s32 @!p0 $0x4268;
	[sflag:s5] =	ssyncset.done $0x0  }
0x69: {  	s1 =	simm.s32 @p0 $0x4A38;
	[sflag:s5] =	ssyncadd.s32 $0xFFFF8300  }
0x6a: {  	[spmem:s2] =	stream.indirect.scatter.add.f32 [tilespmem:s19], [sflag:$0x1], $0x20, s1, s17, $0xb8;
	[tilespmem:$0x122F0] =	vst v63  }
0x6b: {  	_ =	swait.ge [sflag:s5], $0x7D00  }
0x6c: {  	s13 =	simm.s32 @!p0 $0x1B58;
	[sflag:s5] =	ssyncset.done $0x0  }
0x6d: {  	s13 =	simm.s32 @p0 $0x2328;
	[sflag:s5] =	ssyncadd.s32 $0xFFFF8300  }
0x6e: {  	[tilespmem:s19], [sflag:$0x1] =	stream.indirect.gather [hbm4b:s10+s17], $0x20, s13, s17, $0xb8;
	[tilespmem:$0x122F0] =	vst v63  }
0x6f: {  	_ =	swait.ge [sflag:s5], $0x7D00  }
0x70: {  	s16 =	simm.s32 @!p0 $0x4650;
	[sflag:s5] =	ssyncset.done $0x0  }
0x71: {  	s16 =	simm.s32 @p0 $0x4E20;
	[sflag:s5] =	ssyncadd.s32 $0xFFFF8300  }
0x72: {  	[spmem:s2] =	stream.indirect.scatter.add.f32 [tilespmem:s19], [sflag:$0x1], $0x20, s16, s17, $0xb8;
	[tilespmem:$0x122F0] =	vst v63  }
0x73: {  	_ =	swait.ge [sflag:s5], $0x7D00  }
0x74: {  	s3 =	simm.s32 @!p0 $0x1F40;
	[sflag:s5] =	ssyncset.done $0x0  }
0x75: {  	s18 =	ssub.s32 $0x2, s14;
	s3 =	simm.s32 @p0 $0x2710;
	[sflag:s5] =	ssyncadd.s32 $0xFFFF8300  }
0x76: {  	[tilespmem:s19], [sflag:$0x1] =	stream.indirect.gather [hbm4b:s10+s17], $0x20, s3, s17, $0xb8;
	[tilespmem:$0x122F0] =	vst v63  }
0x77: {  	s14 =	sshrl.u32 s18, $0x1;
	_ =	swait.ge [sflag:s5], $0x7D00  }
0x78: {  	s14 =	ssub.s32 s18, s14;
	s9 =	simm.s32 @!p0 $0x4A38;
	[sflag:s5] =	ssyncset.done $0x0  }
0x79: {  	s14 =	smax.u32 s14, $0x1;
	s9 =	simm.s32 @p0 $0x5208;
	[sflag:s5] =	ssyncadd.s32 $0xFFFF8300  }
0x7a: {  	[spmem:s2] =	stream.indirect.scatter.add.f32 [tilespmem:s19], [sflag:$0x1], $0x20, s9, s17, $0xb8;
	[tilespmem:$0x122F0] =	vst v63  }
0x7b: {  	s14 =	sadd.s32 $0xFFFFFFFF, s14;
	_ =	swait.ge [sflag:s5], $0x7D00  }
0x7c: {  	p1 =	sne.s32 s14, $0x0;
	[sflag:s5] =	ssyncset.done $0x0  }
.Ltmp0:
0x7d: {  	[sflag:s5] =	ssyncadd.s32 $0xFFFF8300;
	(pc) =	sbr.rel @!p1 .LBB2_2-.Ltmp0, $4  }
0x7e: {  	[bflag:$0x0] =	sbarrier.arrive $0xFFFF  }
0x7f: {  	s20 =	rddreg [dreg:$0x7]  }
0x80: {  	[hbm:s20], [sflag:s4] =	dma.local [spmem:s6], $0xA00  }
0x81: {  	_ =	swait.ge [sflag:s5], $0xA00  }
.LBB2_1:
0x82: {  	[sflag:s5] =	ssyncset.done $0x0  }
0x83: {  	s18 =	rddreg [dreg:$0x3];
	[sflag:s5] =	ssyncadd.s32 $0xFFFFF600  }
0x84: {  	[spmem:s6], [sflag:s4] =	dma.local [hbm:s18], $0xA00  }
0x85: {  	_ =	swait.ge [sflag:s5], $0xA00  }
0x86: {  	[sflag:s5] =	ssyncset.done $0x0  }
0x87: {  	s18 =	rddreg [dreg:$0x4];
	[sflag:s5] =	ssyncadd.s32 $0xFFFFF600  }
0x88: {  	[tilespmem:s7], [sflag:$0x1] =	stream.linear.gather @p0 [hbm4b:s18+s7], $0x2AF8, $0x38;
	[tilespmem:$0x122F0] =	vst v63  }
0x89: {  	_ =	swait.ge @p0 [sflag:s8], $0x2AF8  }
0x8a: {  	[sflag:s8] =	ssyncset.done @p0 $0x0  }
0x8b: {  	s20 =	simm.s32 @p0 $0x2AF8;
	s18 =	rddreg [dreg:$0x5];
	[sflag:s8] =	ssyncadd.s32 @p0 $0xFFFFD508  }
0x8c: {  	[tilespmem:s20], [sflag:$0x1] =	stream.linear.gather @p0 [hbm4b:s18+s7], $0x2AF8, $0x38;
	[tilespmem:$0x122F0] =	vst v63  }
0x8d: {  	_ =	swait.ge @p0 [sflag:s8], $0x2AF8  }
0x8e: {  	[sflag:s8] =	ssyncset.done @p0 $0x0  }
0x8f: {  	[sflag:s8] =	ssyncadd.s32 @p0 $0xFFFFD508  }
0x90: {  	[bflag:$0x0] =	sbarrier.arrive @p0 $0xFFFF  }
0x91: {  	[tilespmem:s12], [sflag:$0x1] =	stream.indirect.gather @p0 [hbm4b:s10+s11], $0x20, s7, s11, $0xb8;
	[tilespmem:$0x122F0] =	vst v63  }
0x92: {  	_ =	swait.ge @p0 [sflag:s8], $0x7D00  }
0x93: {  	[sflag:s8] =	ssyncset.done @p0 $0x0  }
0x94: {  	[sflag:s8] =	ssyncadd.s32 @p0 $0xFFFF8300  }
0x95: {  	[spmem:s2] =	stream.indirect.scatter.add.f32 @p0 [tilespmem:s12], [sflag:$0x1], $0x20, s20, s11, $0xb8;
	[tilespmem:$0x122F0] =	vst v63  }
0x96: {  	_ =	swait.ge @p0 [sflag:s8], $0x7D00  }
0x97: {  	[sflag:s8] =	ssyncset.done @p0 $0x0  }
0x98: {  	[sflag:s8] =	ssyncadd.s32 @p0 $0xFFFF8300  }
0x99: {  	[tilespmem:s12], [sflag:$0x1] =	stream.indirect.gather @p0 [hbm4b:s10+s11], $0x20, s11, s11, $0xb8;
	[tilespmem:$0x122F0] =	vst v63  }
0x9a: {  	_ =	swait.ge @p0 [sflag:s8], $0x7D00  }
0x9b: {  	[sflag:s8] =	ssyncset.done @p0 $0x0  }
0x9c: {  	s18 =	simm.s32 @p0 $0x2EE0;
	[sflag:s8] =	ssyncadd.s32 @p0 $0xFFFF8300  }
0x9d: {  	[spmem:s2] =	stream.indirect.scatter.add.f32 @p0 [tilespmem:s12], [sflag:$0x1], $0x20, s18, s11, $0xb8;
	[tilespmem:$0x122F0] =	vst v63  }
0x9e: {  	_ =	swait.ge @p0 [sflag:s8], $0x7D00  }
0x9f: {  	[sflag:s8] =	ssyncset.done @p0 $0x0  }
0xa0: {  	s20 =	simm.s32 @!p0 $0x0;
	s18 =	rddreg [dreg:$0x8];
	[sflag:s8] =	ssyncadd.s32 @p0 $0xFFFF8300  }
0xa1: {  	[tilespmem:s20], [sflag:$0x1] =	stream.linear.gather @!p0 [hbm4b:s18+s20], $0x2328, $0x38;
	[tilespmem:$0x122F0] =	vst v63  }
0xa2: {  	_ =	swait.ge @!p0 [sflag:s15], $0x2328  }
0xa3: {  	[sflag:s15] =	ssyncset.done @!p0 $0x0  }
0xa4: {  	s21 =	simm.s32 @!p0 $0x2AF8;
	s18 =	rddreg [dreg:$0x6];
	[sflag:s15] =	ssyncadd.s32 @!p0 $0xFFFFDCD8  }
0xa5: {  	[tilespmem:s21], [sflag:$0x1] =	stream.linear.gather @!p0 [hbm4b:s18+s20], $0x2328, $0x38;
	[tilespmem:$0x122F0] =	vst v63  }
0xa6: {  	_ =	swait.ge @!p0 [sflag:s15], $0x2328  }
0xa7: {  	[sflag:s15] =	ssyncset.done @!p0 $0x0  }
0xa8: {  	[sflag:s15] =	ssyncadd.s32 @!p0 $0xFFFFDCD8  }
0xa9: {  	[bflag:$0x0] =	sbarrier.arrive @!p0 $0xFFFF  }
0xaa: {  	s20 =	rddreg [dreg:$0x9]  }
0xab: {  	[tilespmem:s19], [sflag:$0x1] =	stream.indirect.gather [hbm4b:s10+s17], $0x20, s20, s17, $0xb8;
	[tilespmem:$0x122F0] =	vst v63  }
0xac: {  	_ =	swait.ge [sflag:s5], $0x7D00  }
0xad: {  	[sflag:s5] =	ssyncset.done $0x0  }
0xae: {  	s21 =	rddreg [dreg:$0xa];
	[sflag:s5] =	ssyncadd.s32 $0xFFFF8300  }
0xaf: {  	[spmem:s2] =	stream.indirect.scatter.add.f32 [tilespmem:s19], [sflag:$0x1], $0x20, s21, s17, $0xb8;
	[tilespmem:$0x122F0] =	vst v63  }
0xb0: {  	_ =	swait.ge [sflag:s5], $0x7D00  }
0xb1: {  	[sflag:s5] =	ssyncset.done $0x0  }
0xb2: {  	s20 =	rddreg [dreg:$0xb];
	[sflag:s5] =	ssyncadd.s32 $0xFFFF8300  }
0xb3: {  	[tilespmem:s19], [sflag:$0x1] =	stream.indirect.gather [hbm4b:s10+s17], $0x20, s20, s17, $0xb8;
	[tilespmem:$0x122F0] =	vst v63  }
0xb4: {  	_ =	swait.ge [sflag:s5], $0x7D00  }
0xb5: {  	[sflag:s5] =	ssyncset.done $0x0  }
0xb6: {  	[sflag:s5] =	ssyncadd.s32 $0xFFFF8300  }
0xb7: {  	[spmem:s2] =	stream.indirect.scatter.add.f32 [tilespmem:s19], [sflag:$0x1], $0x20, s22, s17, $0xb8;
	[tilespmem:$0x122F0] =	vst v63  }
0xb8: {  	_ =	swait.ge [sflag:s5], $0x7D00  }
0xb9: {  	[sflag:s5] =	ssyncset.done $0x0  }
0xba: {  	[sflag:s5] =	ssyncadd.s32 $0xFFFF8300  }
0xbb: {  	[tilespmem:s19], [sflag:$0x1] =	stream.indirect.gather [hbm4b:s10+s17], $0x20, s23, s17, $0xb8;
	[tilespmem:$0x122F0] =	vst v63  }
0xbc: {  	_ =	swait.ge [sflag:s5], $0x7D00  }
0xbd: {  	[sflag:s5] =	ssyncset.done $0x0  }
0xbe: {  	[sflag:s5] =	ssyncadd.s32 $0xFFFF8300  }
0xbf: {  	[spmem:s2] =	stream.indirect.scatter.add.f32 [tilespmem:s19], [sflag:$0x1], $0x20, s24, s17, $0xb8;
	[tilespmem:$0x122F0] =	vst v63  }
0xc0: {  	_ =	swait.ge [sflag:s5], $0x7D00  }
0xc1: {  	[sflag:s5] =	ssyncset.done $0x0  }
0xc2: {  	[sflag:s5] =	ssyncadd.s32 $0xFFFF8300  }
0xc3: {  	[tilespmem:s19], [sflag:$0x1] =	stream.indirect.gather [hbm4b:s10+s17], $0x20, s25, s17, $0xb8;
	[tilespmem:$0x122F0] =	vst v63  }
0xc4: {  	_ =	swait.ge [sflag:s5], $0x7D00  }
0xc5: {  	[sflag:s5] =	ssyncset.done $0x0  }
0xc6: {  	[sflag:s5] =	ssyncadd.s32 $0xFFFF8300  }
0xc7: {  	[spmem:s2] =	stream.indirect.scatter.add.f32 [tilespmem:s19], [sflag:$0x1], $0x20, s26, s17, $0xb8;
	[tilespmem:$0x122F0] =	vst v63  }
0xc8: {  	_ =	swait.ge [sflag:s5], $0x7D00  }
0xc9: {  	[sflag:s5] =	ssyncset.done $0x0  }
0xca: {  	[sflag:s5] =	ssyncadd.s32 $0xFFFF8300  }
0xcb: {  	[tilespmem:s19], [sflag:$0x1] =	stream.indirect.gather [hbm4b:s10+s17], $0x20, s28, s17, $0xb8;
	[tilespmem:$0x122F0] =	vst v63  }
0xcc: {  	_ =	swait.ge [sflag:s5], $0x7D00  }
0xcd: {  	[sflag:s5] =	ssyncset.done $0x0  }
0xce: {  	[sflag:s5] =	ssyncadd.s32 $0xFFFF8300  }
0xcf: {  	[spmem:s2] =	stream.indirect.scatter.add.f32 [tilespmem:s19], [sflag:$0x1], $0x20, s29, s17, $0xb8;
	[tilespmem:$0x122F0] =	vst v63  }
0xd0: {  	_ =	swait.ge [sflag:s5], $0x7D00  }
0xd1: {  	[sflag:s5] =	ssyncset.done $0x0  }
0xd2: {  	[sflag:s5] =	ssyncadd.s32 $0xFFFF8300  }
0xd3: {  	[tilespmem:s19], [sflag:$0x1] =	stream.indirect.gather [hbm4b:s10+s17], $0x20, s30, s17, $0xb8;
	[tilespmem:$0x122F0] =	vst v63  }
0xd4: {  	_ =	swait.ge [sflag:s5], $0x7D00  }
0xd5: {  	[sflag:s5] =	ssyncset.done $0x0  }
0xd6: {  	[sflag:s5] =	ssyncadd.s32 $0xFFFF8300  }
0xd7: {  	[spmem:s2] =	stream.indirect.scatter.add.f32 [tilespmem:s19], [sflag:$0x1], $0x20, s31, s17, $0xb8;
	[tilespmem:$0x122F0] =	vst v63  }
0xd8: {  	_ =	swait.ge [sflag:s5], $0x7D00  }
0xd9: {  	[sflag:s5] =	ssyncset.done $0x0  }
0xda: {  	[sflag:s5] =	ssyncadd.s32 $0xFFFF8300  }
0xdb: {  	[tilespmem:s19], [sflag:$0x1] =	stream.indirect.gather [hbm4b:s10+s17], $0x20, s0, s17, $0xb8;
	[tilespmem:$0x122F0] =	vst v63  }
0xdc: {  	_ =	swait.ge [sflag:s5], $0x7D00  }
0xdd: {  	[sflag:s5] =	ssyncset.done $0x0  }
0xde: {  	[sflag:s5] =	ssyncadd.s32 $0xFFFF8300  }
0xdf: {  	[spmem:s2] =	stream.indirect.scatter.add.f32 [tilespmem:s19], [sflag:$0x1], $0x20, s1, s17, $0xb8;
	[tilespmem:$0x122F0] =	vst v63  }
0xe0: {  	_ =	swait.ge [sflag:s5], $0x7D00  }
0xe1: {  	[sflag:s5] =	ssyncset.done $0x0  }
0xe2: {  	[sflag:s5] =	ssyncadd.s32 $0xFFFF8300  }
0xe3: {  	[tilespmem:s19], [sflag:$0x1] =	stream.indirect.gather [hbm4b:s10+s17], $0x20, s13, s17, $0xb8;
	[tilespmem:$0x122F0] =	vst v63  }
0xe4: {  	_ =	swait.ge [sflag:s5], $0x7D00  }
0xe5: {  	[sflag:s5] =	ssyncset.done $0x0  }
0xe6: {  	[sflag:s5] =	ssyncadd.s32 $0xFFFF8300  }
0xe7: {  	[spmem:s2] =	stream.indirect.scatter.add.f32 [tilespmem:s19], [sflag:$0x1], $0x20, s16, s17, $0xb8;
	[tilespmem:$0x122F0] =	vst v63  }
0xe8: {  	_ =	swait.ge [sflag:s5], $0x7D00  }
0xe9: {  	[sflag:s5] =	ssyncset.done $0x0  }
0xea: {  	[sflag:s5] =	ssyncadd.s32 $0xFFFF8300  }
0xeb: {  	[tilespmem:s19], [sflag:$0x1] =	stream.indirect.gather [hbm4b:s10+s17], $0x20, s3, s17, $0xb8;
	[tilespmem:$0x122F0] =	vst v63  }
0xec: {  	_ =	swait.ge [sflag:s5], $0x7D00  }
0xed: {  	[sflag:s5] =	ssyncset.done $0x0  }
0xee: {  	[sflag:s5] =	ssyncadd.s32 $0xFFFF8300  }
0xef: {  	[spmem:s2] =	stream.indirect.scatter.add.f32 [tilespmem:s19], [sflag:$0x1], $0x20, s9, s17, $0xb8;
	[tilespmem:$0x122F0] =	vst v63  }
0xf0: {  	s14 =	sadd.s32 $0xFFFFFFFF, s14;
	_ =	swait.ge [sflag:s5], $0x7D00  }
0xf1: {  	p1 =	sne.s32 s14, $0x0;
	[sflag:s5] =	ssyncset.done $0x0  }
.Ltmp1:
0xf2: {  	[sflag:s5] =	ssyncadd.s32 $0xFFFF8300;
	(pc) =	sbr.rel @p1 .LBB2_1-.Ltmp1, $4  }
0xf3: {  	[bflag:$0x0] =	sbarrier.arrive $0xFFFF  }
0xf4: {  	s21 =	rddreg [dreg:$0x7]  }
0xf5: {  	[hbm:s21], [sflag:s4] =	dma.local [spmem:s6], $0xA00  }
0xf6: {  	_ =	swait.ge [sflag:s5], $0xA00  }
.LBB2_2:
0xf7: {  	[sflag:s5] =	ssyncset.done $0x0  }
0xf8: {  	[sflag:s5] =	ssyncadd.s32 $0xFFFFF600  }
0xf9: {  	_ =	sfence.sel $0x180000  }
0xfa: {  	[bflag:$0x0] =	sbarrier.arrive $0xFFFF  }
0xfb: {  	_ =	strace $0x9000004A  }
0xfc: {  	s0 =	stileid.u32;
	[bflag:$0x2] =	sbarrier.arrive $0xFFFF  }
0xfd: {  	p0 =	sne.s32 s0, $0x0;
	s0 =	rddreg [dreg:$0x2]  }
0xfe: {  	s0 =	sadd.s32 @!p0 $0x100000, s0  }
0xff: {  	[sflag:s0] =	ssyncadd.tile.s32 @!p0 $0x1;
	_ =	shalt  }
.Lfunc_end2:
_tile_overlayer_lowered:
.L_overlay_start_2:
0x100: {  	(tag) =	ssettag $0x2  }
0x101: {  	s0 =	rddreg [dreg:$0x0];
	s2 =	stileid.u32  }
0x102: {  	s1 =	rddreg [dreg:$0x1];
	p0 =	sne.s32 s2, $0x0  }
0x103: {  	s3 =	rddreg [dreg:$0x2];
	[bflag:$0x3] =	sbarrier.arrive $0xFFFF;
	s2 =	simm.s32 @!p0 $0x1C01  }
0x104: {  	[timem:s3], [sflag:s2] =	dma.local @!p0 [hbm:s0], s1  }
0x105: {  	s0 =	simm.s32 @!p0 $0x1  }
0x106: {  	_ =	swait.ge @!p0 [sflag:s0], s1  }
0x107: {  	s1 =	ssub.s32 @!p0 $0x0, s1;
	[sflag:s0] =	ssyncset.done @!p0 $0x0  }
0x108: {  	[sflag:s0] =	ssyncadd.s32 @!p0 s1  }
0x109: {  	[bflag:$0x3] =	sbarrier.arrive $0xFFFF  }
0x10a: {  	_ =	shalt  }

// kernel: kernel.15.cloned.1.call-start
scs
__scs_entry_jumppad:
0x0: {  	(pc) =	sbr.rel $0x88, $3  }
0x1: {  	(tag) =	ssettag $0x0;
	lr =	simm.s32 $0x1  }
0x2: {  	[smem:$0x3F9B] =	sst lr;
	_ =	strace $0xD0000000  }
0x3: {  	_ = 	snop  }
0x4: {  	_ = 	snop  }
0x5: {  	_ = 	snop  }
0x6: {  	_ = 	snop  }
0x7: {  	_ = 	snop  }
__scs_overlays_trampoline_lowered:
0x8: {  	[smem:$0x3FAA] =	sst s0  }
0x9: {  	[smem:$0x3FAB] =	sst s1  }
0xa: {  	[smem:$0x3FAC] =	sst s2  }
0xb: {  	[smem:$0x3FAD] =	sst s3  }
0xc: {  	[smem:$0x3FAE] =	sst s4  }
0xd: {  	[smem:$0x3FAF] =	sst s5  }
0xe: {  	[smem:$0x3FB0] =	sst s6  }
0xf: {  	[smem:$0x3FB1] =	sst s7  }
0x10: {  	[smem:$0x3FB2] =	sst s8  }
0x11: {  	[smem:$0x3FB3] =	sst s9;
	s0 =	simm.s32 @!p0 $0x0  }
0x12: {  	s1 =	sld [smem:$0x3F99];
	s0 =	simm.s32 @p0 $0x1  }
0x13: {  	[smem:$0x3FB4] =	sst s0;
	s0 =	simm.s32 @!p1 $0x0  }
0x14: {  	s2 =	sld [smem:$0x3F98];
	s0 =	simm.s32 @p1 $0x1  }
0x15: {  	[smem:$0x3FB5] =	sst s0;
	s0 =	simm.s32 @!p2 $0x0  }
0x16: {  	s3 =	sld [smem:$0x3FDB];
	s0 =	simm.s32 @p2 $0x1  }
0x17: {  	s4 =	simm.s32 $0x1BF5;
	[smem:$0x3FB7] =	sst s0  }
0x18: {  	s0 =	sld [smem:$0x3F9A];
	_ =	swait.ge [sflag:s4], $0x0  }
0x19: {  	s7 =	sld [smem:$0x3F9B]  }
0x1a: {  	s8 =	sadd.s32 $0xFFFFE003, lr  }
0x1b: {  	s9 =	sadd.s32 $0xFFFFFEF7, lr;
	s5 =	simm.s32 $0xFFFFFFFF;
	p2 =	slt.u32 s8, $0xFFFFF086  }
0x1c: {  	p1 =	slt.u32 s9, $0xF7A;
	s5 =	simm.s32 @!p2 $0x0  }
0x1d: {  	s5 =	simm.s32 @p1 $0x1;
	p0 =	seq.s32 s7, s2  }
0x1e: {  	s7 =	smul.u32 @!p0 $0xF7A, s2;
	p2 =	seq.s32 @!p0 s5, $0x0  }
0x1f: {  	s9 =	smul.u32 $0xF7A, s1;
	s8 =	simm.s32 @!p0 $0x1BF5;
	p2 =	por !p2, p0  }
0x20: {  	[sflag:s8] =	ssyncset.s32 @!p0 $0xFFFFF086;
	s6 =	sadd.s32 @!p0 s3, s7;
	s7 =	simm.s32 @!p0 $0x108  }
0x21: {  	s3 =	sadd.s32 s3, s9;
	s6 =	sadd.s32 @!p0 $0x88, s6;
	s7 =	simm.s32 @p2 $0x1082  }
0x22: {  	[simem:s7], [sflag:s8] =	dma.local @!p0 [hbm:s6], $0xF7A  }
0x23: {  	s9 =	sor.u32 $0xD0000000, s2;
	s6 =	simm.s32 $0x108;
	_ =	swait.ge @!p0 [sflag:s8], $0x0  }
0x24: {  	s3 =	sadd.s32 $0x88, s3;
	s6 =	simm.s32 @!p1 $0x1082;
	[sflag:s4] =	ssyncset.s32 $0xFFFFF086  }
0x25: {  	[simem:s6], [sflag:s4] =	dma.local [hbm:s3], $0xF7A  }
0x26: {  	[smem:$0x3F9B] =	sst s1;
	(tag) =	ssettag s2;
	_ =	strace s9  }
0x27: {  	s1 =	sld [smem:$0x3FAB]  }
0x28: {  	s2 =	sld [smem:$0x3FAC]  }
0x29: {  	s4 =	sld [smem:$0x3FAE]  }
0x2a: {  	p0 =	seq.s32 s5, $0x0;
	s5 =	sld [smem:$0x3FAF]  }
0x2b: {  	s6 =	sld [smem:$0x3FB0]  }
0x2c: {  	s7 =	sld [smem:$0x3FB1]  }
0x2d: {  	s3 =	simm.s32 $0x108;
	s8 =	sld [smem:$0x3FB2]  }
0x2e: {  	s3 =	simm.s32 @!p0 $0x1082;
	s9 =	sld [smem:$0x3FB3]  }
0x2f: {  	lr =	sadd.s32 s0, s3;
	s0 =	sld [smem:$0x3FAA]  }
0x30: {  	s3 =	sld [smem:$0x3FAD]  }
0x31: {  	[smem:$0x3FB6] =	sst s10  }
0x32: {  	s10 =	sld [smem:$0x3FB4];
	_ =	sdelay $0x3  }
0x33: {  	p0 =	seq.s32 s10, $0x1;
	s10 =	sld [smem:$0x3FB6];
	_ =	sdelay $0x3  }
0x34: {  	[smem:$0x3FB6] =	sst s10  }
0x35: {  	s10 =	sld [smem:$0x3FB5];
	_ =	sdelay $0x3  }
0x36: {  	p1 =	seq.s32 s10, $0x1;
	s10 =	sld [smem:$0x3FB6];
	_ =	sdelay $0x3  }
0x37: {  	[smem:$0x3FB6] =	sst s10  }
0x38: {  	s10 =	sld [smem:$0x3FB7]  }
0x39: {  	_ = 	snop;
	(pc) =	sbr.ind lr, $3  }
0x3a: {  	_ = 	snop  }
0x3b: {  	_ = 	snop  }
0x3c: {  	p2 =	seq.s32 s10, $0x1;
	s10 =	sld [smem:$0x3FB6]  }
0x3d: {  	_ =	shalt  }
0x3e: {  	_ =	shalt  }
0x3f: {  	_ =	shalt  }
0x40: {  	_ =	shalt  }
0x41: {  	_ =	shalt  }
0x42: {  	_ =	shalt  }
0x43: {  	_ =	shalt  }
0x44: {  	_ =	shalt  }
0x45: {  	_ =	shalt  }
0x46: {  	_ =	shalt  }
0x47: {  	_ =	shalt  }
0x48: {  	_ =	shalt  }
0x49: {  	_ =	shalt  }
0x4a: {  	_ =	shalt  }
0x4b: {  	_ =	shalt  }
0x4c: {  	_ =	shalt  }
0x4d: {  	_ =	shalt  }
0x4e: {  	_ =	shalt  }
0x4f: {  	_ =	shalt  }
0x50: {  	_ =	shalt  }
0x51: {  	_ =	shalt  }
0x52: {  	_ =	shalt  }
0x53: {  	_ =	shalt  }
0x54: {  	_ =	shalt  }
0x55: {  	_ =	shalt  }
0x56: {  	_ =	shalt  }
0x57: {  	_ =	shalt  }
0x58: {  	_ =	shalt  }
0x59: {  	_ =	shalt  }
0x5a: {  	_ =	shalt  }
0x5b: {  	_ =	shalt  }
0x5c: {  	_ =	shalt  }
0x5d: {  	_ =	shalt  }
0x5e: {  	_ =	shalt  }
0x5f: {  	_ =	shalt  }
0x60: {  	_ =	shalt  }
0x61: {  	_ =	shalt  }
0x62: {  	_ =	shalt  }
0x63: {  	_ =	shalt  }
0x64: {  	_ =	shalt  }
0x65: {  	_ =	shalt  }
0x66: {  	_ =	shalt  }
0x67: {  	_ =	shalt  }
0x68: {  	_ =	shalt  }
0x69: {  	_ =	shalt  }
0x6a: {  	_ =	shalt  }
0x6b: {  	_ =	shalt  }
0x6c: {  	_ =	shalt  }
0x6d: {  	_ =	shalt  }
0x6e: {  	_ =	shalt  }
0x6f: {  	_ =	shalt  }
0x70: {  	_ =	shalt  }
0x71: {  	_ =	shalt  }
0x72: {  	_ =	shalt  }
0x73: {  	_ =	shalt  }
0x74: {  	_ =	shalt  }
0x75: {  	_ =	shalt  }
0x76: {  	_ =	shalt  }
0x77: {  	_ =	shalt  }
0x78: {  	_ =	shalt  }
0x79: {  	_ =	shalt  }
0x7a: {  	_ =	shalt  }
0x7b: {  	_ =	shalt  }
0x7c: {  	_ =	shalt  }
0x7d: {  	_ =	shalt  }
0x7e: {  	_ =	shalt  }
0x7f: {  	_ =	shalt  }
0x80: {  	_ =	shalt  }
0x81: {  	_ =	shalt  }
0x82: {  	_ =	shalt  }
0x83: {  	_ =	shalt  }
0x84: {  	_ =	shalt  }
0x85: {  	_ =	shalt  }
0x86: {  	_ =	shalt  }
0x87: {  	_ =	shalt  }
.Lfunc_end0:
.L_simem_size_0:
called_computation.2_lowered:
.L_overlay_start_0:
0x88: {  	s2 =	sld [smem:$0x3FD9]  }
0x89: {  	s3 =	sld [smem:$0x3FFE];
	_ =	sdelay $0x1  }
0x8a: {  	s1 =	srdreg.scid  }
0x8b: {  	s0 =	sand.u32 $0x1, s1  }
0x8c: {  	s17 =	sshll.u32 s0, $0xA;
	s2 =	sadd.s32 s3, s2  }
0x8d: {  	s2 =	sadd.s32 s2, s17  }
0x8e: {  	[smem:$0x3FC2] =	sst s2  }
0x8f: {  	_ = 	snop  }
0x90: {  	s2 =	sld [smem:$0x3FD0];
	(tm) =	ssettm $0x1  }
0x91: {  	s18 =	sld [smem:$0x3FFB];
	_ =	sdelay $0x3  }
0x92: {  	_ =	strace s18  }
0x93: {  	s3 =	sld [smem:$0x3FFC];
	_ =	sdelay $0x3  }
0x94: {  	_ =	strace s3  }
0x95: {  	s3 =	sld [smem:$0x3FFD];
	_ =	sdelay $0x3  }
0x96: {  	_ =	strace s3  }
0x97: {  	_ =	strace $0x8FFFFFFF  }
0x98: {  	s19 =	sld [smem:$0x3FDB];
	_ =	sdelay $0x1  }
0x99: {  	s4 =	simm.s32 $_scs_section_size  }
0x9a: {  	s5 =	simm.s32 $_size__tile_overlayer_lowered;
	s6 =	simm.s32 $_tile_overlayer_lowered  }
0x9b: {  	s22 =	simm.s32 $0x1BFF;
	s21 =	sshll.u32 s6, $0x1;
	s3 =	sadd.s32 s4, s19  }
0x9c: {  	s7 =	simm.s32 $0x0;
	s20 =	sshll.u32 s5, $0x1;
	s5 =	sadd.s32 s21, s3  }
0x9d: {  	[timem:s7], [sflag:s22] =	dma.local [hbm:s5], s20  }
0x9e: {  	_ =	swait.ge [sflag:s22], s20  }
0x9f: {  	s4 =	ssub.s32 $0x0, s20;
	[sflag:s22] =	ssyncset.done $0x0  }
0xa0: {  	[sflag:s22] =	ssyncadd.s32 s4;
	_ =	sdelay $0x1  }
0xa1: {  	s23 =	simm.s32 $0x1B8B  }
0xa2: {  	_ =	swait.ge [sflag:s23], $0x1  }
0xa3: {  	[sflag:s23] =	ssyncset.done $0x0  }
0xa4: {  	s25 =	simm.s32 $0x1B8E;
	s24 =	sld [smem:$0x3FFE];
	[sflag:s23] =	ssyncadd.s32 $0xFFFFFFFF  }
0xa5: {  	s26 =	simm.s32 $execute0_lowered;
	[smem:$0x3FD2] =	sst s25  }
0xa6: {  	s5 =	sshll.u32 s26, $0x1;
	_ =	strace $0x8000004C;
	[dreg:$0x1] =	wrdreg $0xFFFFFFFF  }
0xa7: {  	s28 =	simm.s32 $_size_execute0_lowered;
	s3 =	sadd.s32 s3, s5;
	[dreg:$0x0] =	wrdreg $0x0  }
0xa8: {  	s5 =	sshll.u32 s28, $0x1;
	[dreg:$0x2] =	wrdreg s3  }
0xa9: {  	[dreg:$0x3] =	wrdreg s5  }
0xaa: {  	[dreg:$0x4] =	wrdreg $0xC0  }
0xab: {  	_ =	task [dreg:s7], $0x5FFFF  }
0xac: {  	[dreg:$0x1] =	wrdreg $0xFFFFFFFF  }
0xad: {  	[dreg:$0x0] =	wrdreg $0x60  }
0xae: {  	[dreg:$0x2] =	wrdreg s2  }
0xaf: {  	[dreg:$0x3] =	wrdreg s24  }
0xb0: {  	[dreg:$0x4] =	wrdreg $0x94700  }
0xb1: {  	[dreg:$0x5] =	wrdreg $0x9  }
0xb2: {  	_ =	task.clear_ibuf [dreg:s7], $0x6FFFF;
	_ =	strace $0x9000004C  }
0xb3: {  	s29 =	simm.s32 $0x9;
	_ =	strace $0x8000004E  }
0xb4: {  	_ =	swait.ge [sflag:s29], $0x1  }
0xb5: {  	[sflag:s29] =	ssyncadd.s32 $0xFFFFFFFF  }
0xb6: {  	_ =	strace $0x9000004E  }
0xb7: {  	_ =	sfence  }
0xb8: {  	s30 =	sld [smem:$0x0];
	_ =	sdelay $0x2  }
0xb9: {  	s31 =	sshll.u32 s1, $0xD;
	s1 =	sshrl.u32 s1, $0x2  }
0xba: {  	s3 =	sand.u32 $0x4000, s31;
	s1 =	sadd.s32 s1, s30  }
0xbb: {  	s0 =	sor.u32 s3, s0;
	s1 =	sshll.u32 s1, $0x11  }
0xbc: {  	s0 =	sor.u32 s1, s0  }
0xbd: {  	s0 =	sadd.s32 $0x8F2B, s0  }
0xbe: {  	[sflag:s0] =	ssyncadd.remote.s32 $0x1  }
0xbf: {  	_ =	sfence.sel $0xFFFF  }
0xc0: {  	[dreg:$0x0] =	wrdreg $0xFFFFFFFF;
	(pc) =	sbr.abs _section_cstart, $3  }
0xc1: {  	[dreg:$0x1] =	wrdreg $0xFFFFFFFF  }
0xc2: {  	_ =	task.clear_ibuf [dreg:s7], $0x2FFFF;
	_ =	strace $0x9FFFFFFF  }
0xc3: {  	(tm) =	ssettm $0x7FFFFFFF  }
tec
execute0_lowered:
.L_overlay_start_1:
0x0: {  	(tag) =	ssettag $0x1  }
0x1: {  	s2 =	rddreg [dreg:$0x0]  }
0x2: {  	s0 =	rddreg [dreg:$0x1]  }
0x3: {  	s3 =	rddreg [dreg:$0x2];
	s9 =	stileid.u32  }
0x4: {  	s1 =	srdreg.scid;
	s5 =	smul.u32 $0x2800, s9  }
0x5: {  	s4 =	simm.s32 $0x0;
	s14 =	sand.u32 $0x1, s1;
	s20 =	smul.u32 $0x2AF8, s9  }
0x6: {  	[smem:$0x7FF] =	sst s4;
	s6 =	sadd.s32 $0x2A00, s0;
	s8 =	smul.u32 $0x2328, s9  }
0x7: {  	s25 =	sshll.u32 s9, $0x6;
	s1 =	smul.u32 $0x28000, s14;
	s7 =	sshrl.u32 s5, $0x3  }
0x8: {  	_ =	strace $0x8000004D;
	s4 =	sshrl.u32 s20, $0x3;
	s7 =	sadd.s32 s7, s0  }
0x9: {  	s23 =	sshrl.u32 s8, $0x3;
	s4 =	sadd.s32 s6, s4;
	s7 =	sadd.s32 $0x16400, s7  }
0xa: {  	s1 =	sadd.s32 s5, s1;
	s21 =	sadd.s32 $0x4650, s4;
	[dreg:$0x4] =	wrdreg s7  }
0xb: {  	s10 =	sadd.s32 s6, s23;
	s22 =	sadd.s32 $0xE290, s4;
	[dreg:$0x5] =	wrdreg s21  }
0xc: {  	s1 =	sshrl.u32 s1, $0x3;
	s4 =	sadd.s32 $0x9C40, s10;
	[dreg:$0x6] =	wrdreg s22  }
0xd: {  	s24 =	sadd.s32 s5, s3;
	s0 =	sadd.s32 s1, s0;
	[dreg:$0x7] =	wrdreg s4  }
0xe: {  	s5 =	sor.u32 $0x1C01, s25;
	s26 =	rddreg [dreg:$0x4];
	s0 =	sadd.s32 $0x1B400, s0  }
0xf: {  	s6 =	simm.s32 $0x1;
	s7 =	sshrl.u32 s24, $0x3;
	[dreg:$0x8] =	wrdreg s0  }
0x10: {  	[spmem:s7], [sflag:s5] =	dma.local [hbm:s26], $0x500  }
0x11: {  	p0 =	sne.s32 s14, $0x0;
	_ =	swait.ge [sflag:s6], $0x500  }
0x12: {  	s8 =	simm.s32 @p0 $0x0;
	[sflag:s6] =	ssyncset.done $0x0  }
0x13: {  	s9 =	simm.s32 @p0 $0x1;
	s0 =	rddreg [dreg:$0x5];
	[sflag:s6] =	ssyncadd.s32 $0xFFFFFB00  }
0x14: {  	[tilespmem:s8], [sflag:$0x1] =	stream.linear.gather @p0 [hbm4b:s0+s8], $0x2AF8, $0x38;
	[tilespmem:$0xBC70] =	vst v63  }
0x15: {  	_ =	swait.ge @p0 [sflag:s9], $0x2AF8  }
0x16: {  	[sflag:s9] =	ssyncset.done @p0 $0x0  }
0x17: {  	s1 =	simm.s32 @p0 $0x2AF8;
	s0 =	rddreg [dreg:$0x6];
	[sflag:s9] =	ssyncadd.s32 @p0 $0xFFFFD508  }
0x18: {  	[tilespmem:s1], [sflag:$0x1] =	stream.linear.gather @p0 [hbm4b:s0+s8], $0x2AF8, $0x38;
	[tilespmem:$0xBC70] =	vst v63  }
0x19: {  	_ =	swait.ge @p0 [sflag:s9], $0x2AF8  }
0x1a: {  	[sflag:s9] =	ssyncset.done @p0 $0x0  }
0x1b: {  	[sflag:s9] =	ssyncadd.s32 @p0 $0xFFFFD508  }
0x1c: {  	s11 =	simm.s32 @p0 $0x3E8;
	s12 =	simm.s32 @p0 $0x55F0;
	[bflag:$0x0] =	sbarrier.arrive @p0 $0xFFFF  }
0x1d: {  	[tilespmem:s12], [sflag:$0x1] =	stream.indirect.gather @p0 [hbm4b:s2+s11], $0x10, s8, s11, $0xb8;
	[tilespmem:$0xBC70] =	vst v63  }
0x1e: {  	_ =	swait.ge @p0 [sflag:s9], $0x3E80  }
0x1f: {  	[sflag:s9] =	ssyncset.done @p0 $0x0  }
0x20: {  	[sflag:s9] =	ssyncadd.s32 @p0 $0xFFFFC180  }
0x21: {  	[spmem:s3] =	stream.indirect.scatter.add.f32 @p0 [tilespmem:s12], [sflag:$0x1], $0x10, s1, s11, $0xb8;
	[tilespmem:$0xBC70] =	vst v63  }
0x22: {  	_ =	swait.ge @p0 [sflag:s9], $0x3E80  }
0x23: {  	[sflag:s9] =	ssyncset.done @p0 $0x0  }
0x24: {  	[sflag:s9] =	ssyncadd.s32 @p0 $0xFFFFC180  }
0x25: {  	[tilespmem:s12], [sflag:$0x1] =	stream.indirect.gather @p0 [hbm4b:s2+s11], $0x10, s11, s11, $0xb8;
	[tilespmem:$0xBC70] =	vst v63  }
0x26: {  	_ =	swait.ge @p0 [sflag:s9], $0x3E80  }
0x27: {  	[sflag:s9] =	ssyncset.done @p0 $0x0  }
0x28: {  	s0 =	simm.s32 @p0 $0x2EE0;
	[sflag:s9] =	ssyncadd.s32 @p0 $0xFFFFC180  }
0x29: {  	[spmem:s3] =	stream.indirect.scatter.add.f32 @p0 [tilespmem:s12], [sflag:$0x1], $0x10, s0, s11, $0xb8;
	[tilespmem:$0xBC70] =	vst v63  }
0x2a: {  	_ =	swait.ge @p0 [sflag:s9], $0x3E80  }
0x2b: {  	s15 =	simm.s32 @!p0 $0x1;
	[sflag:s9] =	ssyncset.done @p0 $0x0  }
0x2c: {  	s1 =	simm.s32 @!p0 $0x0;
	[dreg:$0x9] =	wrdreg s10;
	[sflag:s9] =	ssyncadd.s32 @p0 $0xFFFFC180  }
0x2d: {  	[tilespmem:s1], [sflag:$0x1] =	stream.linear.gather @!p0 [hbm4b:s10+s1], $0x2328, $0x38;
	[tilespmem:$0xBC70] =	vst v63  }
0x2e: {  	_ =	swait.ge @!p0 [sflag:s15], $0x2328  }
0x2f: {  	[sflag:s15] =	ssyncset.done @!p0 $0x0  }
0x30: {  	s4 =	simm.s32 @!p0 $0x2AF8;
	s0 =	rddreg [dreg:$0x7];
	[sflag:s15] =	ssyncadd.s32 @!p0 $0xFFFFDCD8  }
0x31: {  	[tilespmem:s4], [sflag:$0x1] =	stream.linear.gather @!p0 [hbm4b:s0+s1], $0x2328, $0x38;
	[tilespmem:$0xBC70] =	vst v63  }
0x32: {  	_ =	swait.ge @!p0 [sflag:s15], $0x2328  }
0x33: {  	[sflag:s15] =	ssyncset.done @!p0 $0x0  }
0x34: {  	s0 =	simm.s32 @!p0 $0x0;
	[sflag:s15] =	ssyncadd.s32 @!p0 $0xFFFFDCD8  }
0x35: {  	s0 =	simm.s32 @p0 $0x7D0;
	[bflag:$0x0] =	sbarrier.arrive @!p0 $0xFFFF  }
0x36: {  	s17 =	simm.s32 $0x3E8;
	s19 =	simm.s32 $0x55F0;
	[dreg:$0xa] =	wrdreg s0  }
0x37: {  	[tilespmem:s19], [sflag:$0x1] =	stream.indirect.gather [hbm4b:s2+s17], $0x10, s0, s17, $0xb8;
	[tilespmem:$0xBC70] =	vst v63  }
0x38: {  	s0 =	simm.s32 @!p0 $0x2AF8;
	_ =	swait.ge [sflag:s6], $0x3E80  }
0x39: {  	s0 =	simm.s32 @p0 $0x32C8;
	[sflag:s6] =	ssyncset.done $0x0  }
0x3a: {  	[dreg:$0xb] =	wrdreg s0;
	[sflag:s6] =	ssyncadd.s32 $0xFFFFC180  }
0x3b: {  	[spmem:s3] =	stream.indirect.scatter.add.f32 [tilespmem:s19], [sflag:$0x1], $0x10, s0, s17, $0xb8;
	[tilespmem:$0xBC70] =	vst v63  }
0x3c: {  	s0 =	simm.s32 @!p0 $0x3E8;
	_ =	swait.ge [sflag:s6], $0x3E80  }
0x3d: {  	s0 =	simm.s32 @p0 $0xBB8;
	[sflag:s6] =	ssyncset.done $0x0  }
0x3e: {  	[dreg:$0xc] =	wrdreg s0;
	[sflag:s6] =	ssyncadd.s32 $0xFFFFC180  }
0x3f: {  	[tilespmem:s19], [sflag:$0x1] =	stream.indirect.gather [hbm4b:s2+s17], $0x10, s0, s17, $0xb8;
	[tilespmem:$0xBC70] =	vst v63  }
0x40: {  	_ =	swait.ge [sflag:s6], $0x3E80  }
0x41: {  	s0 =	simm.s32 @!p0 $0x2EE0;
	[sflag:s6] =	ssyncset.done $0x0  }
0x42: {  	s0 =	simm.s32 @p0 $0x36B0;
	[sflag:s6] =	ssyncadd.s32 $0xFFFFC180  }
0x43: {  	[spmem:s3] =	stream.indirect.scatter.add.f32 [tilespmem:s19], [sflag:$0x1], $0x10, s0, s17, $0xb8;
	[tilespmem:$0xBC70] =	vst v63  }
0x44: {  	_ =	swait.ge [sflag:s6], $0x3E80  }
0x45: {  	s23 =	simm.s32 @!p0 $0x7D0;
	[sflag:s6] =	ssyncset.done $0x0  }
0x46: {  	s23 =	simm.s32 @p0 $0xFA0;
	[sflag:s6] =	ssyncadd.s32 $0xFFFFC180  }
0x47: {  	[tilespmem:s19], [sflag:$0x1] =	stream.indirect.gather [hbm4b:s2+s17], $0x10, s23, s17, $0xb8;
	[tilespmem:$0xBC70] =	vst v63  }
0x48: {  	_ =	swait.ge [sflag:s6], $0x3E80  }
0x49: {  	s24 =	simm.s32 @!p0 $0x32C8;
	[sflag:s6] =	ssyncset.done $0x0  }
0x4a: {  	s24 =	simm.s32 @p0 $0x3A98;
	[sflag:s6] =	ssyncadd.s32 $0xFFFFC180  }
0x4b: {  	[spmem:s3] =	stream.indirect.scatter.add.f32 [tilespmem:s19], [sflag:$0x1], $0x10, s24, s17, $0xb8;
	[tilespmem:$0xBC70] =	vst v63  }
0x4c: {  	_ =	swait.ge [sflag:s6], $0x3E80  }
0x4d: {  	s25 =	simm.s32 @!p0 $0xBB8;
	[sflag:s6] =	ssyncset.done $0x0  }
0x4e: {  	s25 =	simm.s32 @p0 $0x1388;
	[sflag:s6] =	ssyncadd.s32 $0xFFFFC180  }
0x4f: {  	[tilespmem:s19], [sflag:$0x1] =	stream.indirect.gather [hbm4b:s2+s17], $0x10, s25, s17, $0xb8;
	[tilespmem:$0xBC70] =	vst v63  }
0x50: {  	_ =	swait.ge [sflag:s6], $0x3E80  }
0x51: {  	s26 =	simm.s32 @!p0 $0x36B0;
	[sflag:s6] =	ssyncset.done $0x0  }
0x52: {  	s26 =	simm.s32 @p0 $0x3E80;
	[sflag:s6] =	ssyncadd.s32 $0xFFFFC180  }
0x53: {  	[spmem:s3] =	stream.indirect.scatter.add.f32 [tilespmem:s19], [sflag:$0x1], $0x10, s26, s17, $0xb8;
	[tilespmem:$0xBC70] =	vst v63  }
0x54: {  	_ =	swait.ge [sflag:s6], $0x3E80  }
0x55: {  	s28 =	simm.s32 @!p0 $0xFA0;
	[sflag:s6] =	ssyncset.done $0x0  }
0x56: {  	s28 =	simm.s32 @p0 $0x1770;
	[sflag:s6] =	ssyncadd.s32 $0xFFFFC180  }
0x57: {  	[tilespmem:s19], [sflag:$0x1] =	stream.indirect.gather [hbm4b:s2+s17], $0x10, s28, s17, $0xb8;
	[tilespmem:$0xBC70] =	vst v63  }
0x58: {  	_ =	swait.ge [sflag:s6], $0x3E80  }
0x59: {  	s29 =	simm.s32 @!p0 $0x3A98;
	[sflag:s6] =	ssyncset.done $0x0  }
0x5a: {  	s29 =	simm.s32 @p0 $0x4268;
	[sflag:s6] =	ssyncadd.s32 $0xFFFFC180  }
0x5b: {  	[spmem:s3] =	stream.indirect.scatter.add.f32 [tilespmem:s19], [sflag:$0x1], $0x10, s29, s17, $0xb8;
	[tilespmem:$0xBC70] =	vst v63  }
0x5c: {  	_ =	swait.ge [sflag:s6], $0x3E80  }
0x5d: {  	s30 =	simm.s32 @!p0 $0x1388;
	[sflag:s6] =	ssyncset.done $0x0  }
0x5e: {  	s30 =	simm.s32 @p0 $0x1B58;
	[sflag:s6] =	ssyncadd.s32 $0xFFFFC180  }
0x5f: {  	[tilespmem:s19], [sflag:$0x1] =	stream.indirect.gather [hbm4b:s2+s17], $0x10, s30, s17, $0xb8;
	[tilespmem:$0xBC70] =	vst v63  }
0x60: {  	_ =	swait.ge [sflag:s6], $0x3E80  }
0x61: {  	s31 =	simm.s32 @!p0 $0x3E80;
	[sflag:s6] =	ssyncset.done $0x0  }
0x62: {  	s31 =	simm.s32 @p0 $0x4650;
	[sflag:s6] =	ssyncadd.s32 $0xFFFFC180  }
0x63: {  	[spmem:s3] =	stream.indirect.scatter.add.f32 [tilespmem:s19], [sflag:$0x1], $0x10, s31, s17, $0xb8;
	[tilespmem:$0xBC70] =	vst v63  }
0x64: {  	_ =	swait.ge [sflag:s6], $0x3E80  }
0x65: {  	s22 =	smov.u32 s0;
	s0 =	simm.s32 @!p0 $0x1770;
	[sflag:s6] =	ssyncset.done $0x0  }
0x66: {  	s0 =	simm.s32 @p0 $0x1F40;
	[sflag:s6] =	ssyncadd.s32 $0xFFFFC180  }
0x67: {  	[tilespmem:s19], [sflag:$0x1] =	stream.indirect.gather [hbm4b:s2+s17], $0x10, s0, s17, $0xb8;
	[tilespmem:$0xBC70] =	vst v63  }
0x68: {  	_ =	swait.ge [sflag:s6], $0x3E80  }
0x69: {  	s1 =	simm.s32 @!p0 $0x4268;
	[sflag:s6] =	ssyncset.done $0x0  }
0x6a: {  	s1 =	simm.s32 @p0 $0x4A38;
	[sflag:s6] =	ssyncadd.s32 $0xFFFFC180  }
0x6b: {  	[spmem:s3] =	stream.indirect.scatter.add.f32 [tilespmem:s19], [sflag:$0x1], $0x10, s1, s17, $0xb8;
	[tilespmem:$0xBC70] =	vst v63  }
0x6c: {  	_ =	swait.ge [sflag:s6], $0x3E80  }
0x6d: {  	s13 =	simm.s32 @!p0 $0x1B58;
	[sflag:s6] =	ssyncset.done $0x0  }
0x6e: {  	s13 =	simm.s32 @p0 $0x2328;
	[sflag:s6] =	ssyncadd.s32 $0xFFFFC180  }
0x6f: {  	[tilespmem:s19], [sflag:$0x1] =	stream.indirect.gather [hbm4b:s2+s17], $0x10, s13, s17, $0xb8;
	[tilespmem:$0xBC70] =	vst v63  }
0x70: {  	_ =	swait.ge [sflag:s6], $0x3E80  }
0x71: {  	s16 =	simm.s32 @!p0 $0x4650;
	[sflag:s6] =	ssyncset.done $0x0  }
0x72: {  	s16 =	simm.s32 @p0 $0x4E20;
	[sflag:s6] =	ssyncadd.s32 $0xFFFFC180  }
0x73: {  	[spmem:s3] =	stream.indirect.scatter.add.f32 [tilespmem:s19], [sflag:$0x1], $0x10, s16, s17, $0xb8;
	[tilespmem:$0xBC70] =	vst v63  }
0x74: {  	_ =	swait.ge [sflag:s6], $0x3E80  }
0x75: {  	s4 =	simm.s32 @!p0 $0x1F40;
	[sflag:s6] =	ssyncset.done $0x0  }
0x76: {  	s18 =	ssub.s32 $0x2, s14;
	s4 =	simm.s32 @p0 $0x2710;
	[sflag:s6] =	ssyncadd.s32 $0xFFFFC180  }
0x77: {  	[tilespmem:s19], [sflag:$0x1] =	stream.indirect.gather [hbm4b:s2+s17], $0x10, s4, s17, $0xb8;
	[tilespmem:$0xBC70] =	vst v63  }
0x78: {  	s14 =	sshrl.u32 s18, $0x1;
	_ =	swait.ge [sflag:s6], $0x3E80  }
0x79: {  	s14 =	ssub.s32 s18, s14;
	s10 =	simm.s32 @!p0 $0x4A38;
	[sflag:s6] =	ssyncset.done $0x0  }
0x7a: {  	s14 =	smax.u32 s14, $0x1;
	s10 =	simm.s32 @p0 $0x5208;
	[sflag:s6] =	ssyncadd.s32 $0xFFFFC180  }
0x7b: {  	[spmem:s3] =	stream.indirect.scatter.add.f32 [tilespmem:s19], [sflag:$0x1], $0x10, s10, s17, $0xb8;
	[tilespmem:$0xBC70] =	vst v63  }
0x7c: {  	s14 =	sadd.s32 $0xFFFFFFFF, s14;
	_ =	swait.ge [sflag:s6], $0x3E80  }
0x7d: {  	p1 =	sne.s32 s14, $0x0;
	[sflag:s6] =	ssyncset.done $0x0  }
.Ltmp0:
0x7e: {  	[sflag:s6] =	ssyncadd.s32 $0xFFFFC180;
	(pc) =	sbr.rel @!p1 .LBB2_2-.Ltmp0, $4  }
0x7f: {  	[bflag:$0x0] =	sbarrier.arrive $0xFFFF  }
0x80: {  	s20 =	rddreg [dreg:$0x8]  }
0x81: {  	[hbm:s20], [sflag:s5] =	dma.local [spmem:s7], $0x500  }
0x82: {  	_ =	swait.ge [sflag:s6], $0x500  }
.LBB2_1:
0x83: {  	[sflag:s6] =	ssyncset.done $0x0  }
0x84: {  	s18 =	rddreg [dreg:$0x4];
	[sflag:s6] =	ssyncadd.s32 $0xFFFFFB00  }
0x85: {  	[spmem:s7], [sflag:s5] =	dma.local [hbm:s18], $0x500  }
0x86: {  	_ =	swait.ge [sflag:s6], $0x500  }
0x87: {  	[sflag:s6] =	ssyncset.done $0x0  }
0x88: {  	s18 =	rddreg [dreg:$0x5];
	[sflag:s6] =	ssyncadd.s32 $0xFFFFFB00  }
0x89: {  	[tilespmem:s8], [sflag:$0x1] =	stream.linear.gather @p0 [hbm4b:s18+s8], $0x2AF8, $0x38;
	[tilespmem:$0xBC70] =	vst v63  }
0x8a: {  	_ =	swait.ge @p0 [sflag:s9], $0x2AF8  }
0x8b: {  	[sflag:s9] =	ssyncset.done @p0 $0x0  }
0x8c: {  	s20 =	simm.s32 @p0 $0x2AF8;
	s18 =	rddreg [dreg:$0x6];
	[sflag:s9] =	ssyncadd.s32 @p0 $0xFFFFD508  }
0x8d: {  	[tilespmem:s20], [sflag:$0x1] =	stream.linear.gather @p0 [hbm4b:s18+s8], $0x2AF8, $0x38;
	[tilespmem:$0xBC70] =	vst v63  }
0x8e: {  	_ =	swait.ge @p0 [sflag:s9], $0x2AF8  }
0x8f: {  	[sflag:s9] =	ssyncset.done @p0 $0x0  }
0x90: {  	[sflag:s9] =	ssyncadd.s32 @p0 $0xFFFFD508  }
0x91: {  	[bflag:$0x0] =	sbarrier.arrive @p0 $0xFFFF  }
0x92: {  	[tilespmem:s12], [sflag:$0x1] =	stream.indirect.gather @p0 [hbm4b:s2+s11], $0x10, s8, s11, $0xb8;
	[tilespmem:$0xBC70] =	vst v63  }
0x93: {  	_ =	swait.ge @p0 [sflag:s9], $0x3E80  }
0x94: {  	[sflag:s9] =	ssyncset.done @p0 $0x0  }
0x95: {  	[sflag:s9] =	ssyncadd.s32 @p0 $0xFFFFC180  }
0x96: {  	[spmem:s3] =	stream.indirect.scatter.add.f32 @p0 [tilespmem:s12], [sflag:$0x1], $0x10, s20, s11, $0xb8;
	[tilespmem:$0xBC70] =	vst v63  }
0x97: {  	_ =	swait.ge @p0 [sflag:s9], $0x3E80  }
0x98: {  	[sflag:s9] =	ssyncset.done @p0 $0x0  }
0x99: {  	[sflag:s9] =	ssyncadd.s32 @p0 $0xFFFFC180  }
0x9a: {  	[tilespmem:s12], [sflag:$0x1] =	stream.indirect.gather @p0 [hbm4b:s2+s11], $0x10, s11, s11, $0xb8;
	[tilespmem:$0xBC70] =	vst v63  }
0x9b: {  	_ =	swait.ge @p0 [sflag:s9], $0x3E80  }
0x9c: {  	[sflag:s9] =	ssyncset.done @p0 $0x0  }
0x9d: {  	s18 =	simm.s32 @p0 $0x2EE0;
	[sflag:s9] =	ssyncadd.s32 @p0 $0xFFFFC180  }
0x9e: {  	[spmem:s3] =	stream.indirect.scatter.add.f32 @p0 [tilespmem:s12], [sflag:$0x1], $0x10, s18, s11, $0xb8;
	[tilespmem:$0xBC70] =	vst v63  }
0x9f: {  	_ =	swait.ge @p0 [sflag:s9], $0x3E80  }
0xa0: {  	[sflag:s9] =	ssyncset.done @p0 $0x0  }
0xa1: {  	s20 =	simm.s32 @!p0 $0x0;
	s18 =	rddreg [dreg:$0x9];
	[sflag:s9] =	ssyncadd.s32 @p0 $0xFFFFC180  }
0xa2: {  	[tilespmem:s20], [sflag:$0x1] =	stream.linear.gather @!p0 [hbm4b:s18+s20], $0x2328, $0x38;
	[tilespmem:$0xBC70] =	vst v63  }
0xa3: {  	_ =	swait.ge @!p0 [sflag:s15], $0x2328  }
0xa4: {  	[sflag:s15] =	ssyncset.done @!p0 $0x0  }
0xa5: {  	s21 =	simm.s32 @!p0 $0x2AF8;
	s18 =	rddreg [dreg:$0x7];
	[sflag:s15] =	ssyncadd.s32 @!p0 $0xFFFFDCD8  }
0xa6: {  	[tilespmem:s21], [sflag:$0x1] =	stream.linear.gather @!p0 [hbm4b:s18+s20], $0x2328, $0x38;
	[tilespmem:$0xBC70] =	vst v63  }
0xa7: {  	_ =	swait.ge @!p0 [sflag:s15], $0x2328  }
0xa8: {  	[sflag:s15] =	ssyncset.done @!p0 $0x0  }
0xa9: {  	[sflag:s15] =	ssyncadd.s32 @!p0 $0xFFFFDCD8  }
0xaa: {  	[bflag:$0x0] =	sbarrier.arrive @!p0 $0xFFFF  }
0xab: {  	s20 =	rddreg [dreg:$0xa]  }
0xac: {  	[tilespmem:s19], [sflag:$0x1] =	stream.indirect.gather [hbm4b:s2+s17], $0x10, s20, s17, $0xb8;
	[tilespmem:$0xBC70] =	vst v63  }
0xad: {  	_ =	swait.ge [sflag:s6], $0x3E80  }
0xae: {  	[sflag:s6] =	ssyncset.done $0x0  }
0xaf: {  	s21 =	rddreg [dreg:$0xb];
	[sflag:s6] =	ssyncadd.s32 $0xFFFFC180  }
0xb0: {  	[spmem:s3] =	stream.indirect.scatter.add.f32 [tilespmem:s19], [sflag:$0x1], $0x10, s21, s17, $0xb8;
	[tilespmem:$0xBC70] =	vst v63  }
0xb1: {  	_ =	swait.ge [sflag:s6], $0x3E80  }
0xb2: {  	[sflag:s6] =	ssyncset.done $0x0  }
0xb3: {  	s20 =	rddreg [dreg:$0xc];
	[sflag:s6] =	ssyncadd.s32 $0xFFFFC180  }
0xb4: {  	[tilespmem:s19], [sflag:$0x1] =	stream.indirect.gather [hbm4b:s2+s17], $0x10, s20, s17, $0xb8;
	[tilespmem:$0xBC70] =	vst v63  }
0xb5: {  	_ =	swait.ge [sflag:s6], $0x3E80  }
0xb6: {  	[sflag:s6] =	ssyncset.done $0x0  }
0xb7: {  	[sflag:s6] =	ssyncadd.s32 $0xFFFFC180  }
0xb8: {  	[spmem:s3] =	stream.indirect.scatter.add.f32 [tilespmem:s19], [sflag:$0x1], $0x10, s22, s17, $0xb8;
	[tilespmem:$0xBC70] =	vst v63  }
0xb9: {  	_ =	swait.ge [sflag:s6], $0x3E80  }
0xba: {  	[sflag:s6] =	ssyncset.done $0x0  }
0xbb: {  	[sflag:s6] =	ssyncadd.s32 $0xFFFFC180  }
0xbc: {  	[tilespmem:s19], [sflag:$0x1] =	stream.indirect.gather [hbm4b:s2+s17], $0x10, s23, s17, $0xb8;
	[tilespmem:$0xBC70] =	vst v63  }
0xbd: {  	_ =	swait.ge [sflag:s6], $0x3E80  }
0xbe: {  	[sflag:s6] =	ssyncset.done $0x0  }
0xbf: {  	[sflag:s6] =	ssyncadd.s32 $0xFFFFC180  }
0xc0: {  	[spmem:s3] =	stream.indirect.scatter.add.f32 [tilespmem:s19], [sflag:$0x1], $0x10, s24, s17, $0xb8;
	[tilespmem:$0xBC70] =	vst v63  }
0xc1: {  	_ =	swait.ge [sflag:s6], $0x3E80  }
0xc2: {  	[sflag:s6] =	ssyncset.done $0x0  }
0xc3: {  	[sflag:s6] =	ssyncadd.s32 $0xFFFFC180  }
0xc4: {  	[tilespmem:s19], [sflag:$0x1] =	stream.indirect.gather [hbm4b:s2+s17], $0x10, s25, s17, $0xb8;
	[tilespmem:$0xBC70] =	vst v63  }
0xc5: {  	_ =	swait.ge [sflag:s6], $0x3E80  }
0xc6: {  	[sflag:s6] =	ssyncset.done $0x0  }
0xc7: {  	[sflag:s6] =	ssyncadd.s32 $0xFFFFC180  }
0xc8: {  	[spmem:s3] =	stream.indirect.scatter.add.f32 [tilespmem:s19], [sflag:$0x1], $0x10, s26, s17, $0xb8;
	[tilespmem:$0xBC70] =	vst v63  }
0xc9: {  	_ =	swait.ge [sflag:s6], $0x3E80  }
0xca: {  	[sflag:s6] =	ssyncset.done $0x0  }
0xcb: {  	[sflag:s6] =	ssyncadd.s32 $0xFFFFC180  }
0xcc: {  	[tilespmem:s19], [sflag:$0x1] =	stream.indirect.gather [hbm4b:s2+s17], $0x10, s28, s17, $0xb8;
	[tilespmem:$0xBC70] =	vst v63  }
0xcd: {  	_ =	swait.ge [sflag:s6], $0x3E80  }
0xce: {  	[sflag:s6] =	ssyncset.done $0x0  }
0xcf: {  	[sflag:s6] =	ssyncadd.s32 $0xFFFFC180  }
0xd0: {  	[spmem:s3] =	stream.indirect.scatter.add.f32 [tilespmem:s19], [sflag:$0x1], $0x10, s29, s17, $0xb8;
	[tilespmem:$0xBC70] =	vst v63  }
0xd1: {  	_ =	swait.ge [sflag:s6], $0x3E80  }
0xd2: {  	[sflag:s6] =	ssyncset.done $0x0  }
0xd3: {  	[sflag:s6] =	ssyncadd.s32 $0xFFFFC180  }
0xd4: {  	[tilespmem:s19], [sflag:$0x1] =	stream.indirect.gather [hbm4b:s2+s17], $0x10, s30, s17, $0xb8;
	[tilespmem:$0xBC70] =	vst v63  }
0xd5: {  	_ =	swait.ge [sflag:s6], $0x3E80  }
0xd6: {  	[sflag:s6] =	ssyncset.done $0x0  }
0xd7: {  	[sflag:s6] =	ssyncadd.s32 $0xFFFFC180  }
0xd8: {  	[spmem:s3] =	stream.indirect.scatter.add.f32 [tilespmem:s19], [sflag:$0x1], $0x10, s31, s17, $0xb8;
	[tilespmem:$0xBC70] =	vst v63  }
0xd9: {  	_ =	swait.ge [sflag:s6], $0x3E80  }
0xda: {  	[sflag:s6] =	ssyncset.done $0x0  }
0xdb: {  	[sflag:s6] =	ssyncadd.s32 $0xFFFFC180  }
0xdc: {  	[tilespmem:s19], [sflag:$0x1] =	stream.indirect.gather [hbm4b:s2+s17], $0x10, s0, s17, $0xb8;
	[tilespmem:$0xBC70] =	vst v63  }
0xdd: {  	_ =	swait.ge [sflag:s6], $0x3E80  }
0xde: {  	[sflag:s6] =	ssyncset.done $0x0  }
0xdf: {  	[sflag:s6] =	ssyncadd.s32 $0xFFFFC180  }
0xe0: {  	[spmem:s3] =	stream.indirect.scatter.add.f32 [tilespmem:s19], [sflag:$0x1], $0x10, s1, s17, $0xb8;
	[tilespmem:$0xBC70] =	vst v63  }
0xe1: {  	_ =	swait.ge [sflag:s6], $0x3E80  }
0xe2: {  	[sflag:s6] =	ssyncset.done $0x0  }
0xe3: {  	[sflag:s6] =	ssyncadd.s32 $0xFFFFC180  }
0xe4: {  	[tilespmem:s19], [sflag:$0x1] =	stream.indirect.gather [hbm4b:s2+s17], $0x10, s13, s17, $0xb8;
	[tilespmem:$0xBC70] =	vst v63  }
0xe5: {  	_ =	swait.ge [sflag:s6], $0x3E80  }
0xe6: {  	[sflag:s6] =	ssyncset.done $0x0  }
0xe7: {  	[sflag:s6] =	ssyncadd.s32 $0xFFFFC180  }
0xe8: {  	[spmem:s3] =	stream.indirect.scatter.add.f32 [tilespmem:s19], [sflag:$0x1], $0x10, s16, s17, $0xb8;
	[tilespmem:$0xBC70] =	vst v63  }
0xe9: {  	_ =	swait.ge [sflag:s6], $0x3E80  }
0xea: {  	[sflag:s6] =	ssyncset.done $0x0  }
0xeb: {  	[sflag:s6] =	ssyncadd.s32 $0xFFFFC180  }
0xec: {  	[tilespmem:s19], [sflag:$0x1] =	stream.indirect.gather [hbm4b:s2+s17], $0x10, s4, s17, $0xb8;
	[tilespmem:$0xBC70] =	vst v63  }
0xed: {  	_ =	swait.ge [sflag:s6], $0x3E80  }
0xee: {  	[sflag:s6] =	ssyncset.done $0x0  }
0xef: {  	[sflag:s6] =	ssyncadd.s32 $0xFFFFC180  }
0xf0: {  	[spmem:s3] =	stream.indirect.scatter.add.f32 [tilespmem:s19], [sflag:$0x1], $0x10, s10, s17, $0xb8;
	[tilespmem:$0xBC70] =	vst v63  }
0xf1: {  	s14 =	sadd.s32 $0xFFFFFFFF, s14;
	_ =	swait.ge [sflag:s6], $0x3E80  }
0xf2: {  	p1 =	sne.s32 s14, $0x0;
	[sflag:s6] =	ssyncset.done $0x0  }
.Ltmp1:
0xf3: {  	[sflag:s6] =	ssyncadd.s32 $0xFFFFC180;
	(pc) =	sbr.rel @p1 .LBB2_1-.Ltmp1, $4  }
0xf4: {  	[bflag:$0x0] =	sbarrier.arrive $0xFFFF  }
0xf5: {  	s21 =	rddreg [dreg:$0x8]  }
0xf6: {  	[hbm:s21], [sflag:s5] =	dma.local [spmem:s7], $0x500  }
0xf7: {  	_ =	swait.ge [sflag:s6], $0x500  }
.LBB2_2:
0xf8: {  	[sflag:s6] =	ssyncset.done $0x0  }
0xf9: {  	[sflag:s6] =	ssyncadd.s32 $0xFFFFFB00  }
0xfa: {  	_ =	sfence.sel $0x180000  }
0xfb: {  	[bflag:$0x0] =	sbarrier.arrive $0xFFFF  }
0xfc: {  	_ =	strace $0x9000004D  }
0xfd: {  	s0 =	stileid.u32;
	[bflag:$0x2] =	sbarrier.arrive $0xFFFF  }
0xfe: {  	p0 =	sne.s32 s0, $0x0;
	s0 =	rddreg [dreg:$0x3]  }
0xff: {  	s0 =	sadd.s32 @!p0 $0x100000, s0  }
0x100: {  	[sflag:s0] =	ssyncadd.tile.s32 @!p0 $0x1;
	_ =	shalt  }
.Lfunc_end2:
_tile_overlayer_lowered:
.L_overlay_start_2:
0x101: {  	(tag) =	ssettag $0x2  }
0x102: {  	s0 =	rddreg [dreg:$0x0];
	s2 =	stileid.u32  }
0x103: {  	s1 =	rddreg [dreg:$0x1];
	p0 =	sne.s32 s2, $0x0  }
0x104: {  	s3 =	rddreg [dreg:$0x2];
	[bflag:$0x3] =	sbarrier.arrive $0xFFFF;
	s2 =	simm.s32 @!p0 $0x1C01  }
0x105: {  	[timem:s3], [sflag:s2] =	dma.local @!p0 [hbm:s0], s1  }
0x106: {  	s0 =	simm.s32 @!p0 $0x1  }
0x107: {  	_ =	swait.ge @!p0 [sflag:s0], s1  }
0x108: {  	s1 =	ssub.s32 @!p0 $0x0, s1;
	[sflag:s0] =	ssyncset.done @!p0 $0x0  }
0x109: {  	[sflag:s0] =	ssyncadd.s32 @!p0 s1  }
0x10a: {  	[bflag:$0x3] =	sbarrier.arrive $0xFFFF  }
0x10b: {  	_ =	shalt  }

// kernel: kernel.9.cloned.1.call-start
scs
__scs_entry_jumppad:
0x0: {  	(pc) =	sbr.rel $0x88, $3  }
0x1: {  	(tag) =	ssettag $0x0;
	lr =	simm.s32 $0x1  }
0x2: {  	[smem:$0x3F9B] =	sst lr;
	_ =	strace $0xD0000000  }
0x3: {  	_ = 	snop  }
0x4: {  	_ = 	snop  }
0x5: {  	_ = 	snop  }
0x6: {  	_ = 	snop  }
0x7: {  	_ = 	snop  }
__scs_overlays_trampoline_lowered:
0x8: {  	[smem:$0x3FAA] =	sst s0  }
0x9: {  	[smem:$0x3FAB] =	sst s1  }
0xa: {  	[smem:$0x3FAC] =	sst s2  }
0xb: {  	[smem:$0x3FAD] =	sst s3  }
0xc: {  	[smem:$0x3FAE] =	sst s4  }
0xd: {  	[smem:$0x3FAF] =	sst s5  }
0xe: {  	[smem:$0x3FB0] =	sst s6  }
0xf: {  	[smem:$0x3FB1] =	sst s7  }
0x10: {  	[smem:$0x3FB2] =	sst s8  }
0x11: {  	[smem:$0x3FB3] =	sst s9;
	s0 =	simm.s32 @!p0 $0x0  }
0x12: {  	s1 =	sld [smem:$0x3F99];
	s0 =	simm.s32 @p0 $0x1  }
0x13: {  	[smem:$0x3FB4] =	sst s0;
	s0 =	simm.s32 @!p1 $0x0  }
0x14: {  	s2 =	sld [smem:$0x3F98];
	s0 =	simm.s32 @p1 $0x1  }
0x15: {  	[smem:$0x3FB5] =	sst s0;
	s0 =	simm.s32 @!p2 $0x0  }
0x16: {  	s3 =	sld [smem:$0x3FDB];
	s0 =	simm.s32 @p2 $0x1  }
0x17: {  	s4 =	simm.s32 $0x1BF5;
	[smem:$0x3FB7] =	sst s0  }
0x18: {  	s0 =	sld [smem:$0x3F9A];
	_ =	swait.ge [sflag:s4], $0x0  }
0x19: {  	s7 =	sld [smem:$0x3F9B]  }
0x1a: {  	s8 =	sadd.s32 $0xFFFFE003, lr  }
0x1b: {  	s9 =	sadd.s32 $0xFFFFFEF7, lr;
	s5 =	simm.s32 $0xFFFFFFFF;
	p2 =	slt.u32 s8, $0xFFFFF086  }
0x1c: {  	p1 =	slt.u32 s9, $0xF7A;
	s5 =	simm.s32 @!p2 $0x0  }
0x1d: {  	s5 =	simm.s32 @p1 $0x1;
	p0 =	seq.s32 s7, s2  }
0x1e: {  	s7 =	smul.u32 @!p0 $0xF7A, s2;
	p2 =	seq.s32 @!p0 s5, $0x0  }
0x1f: {  	s9 =	smul.u32 $0xF7A, s1;
	s8 =	simm.s32 @!p0 $0x1BF5;
	p2 =	por !p2, p0  }
0x20: {  	[sflag:s8] =	ssyncset.s32 @!p0 $0xFFFFF086;
	s6 =	sadd.s32 @!p0 s3, s7;
	s7 =	simm.s32 @!p0 $0x108  }
0x21: {  	s3 =	sadd.s32 s3, s9;
	s6 =	sadd.s32 @!p0 $0x88, s6;
	s7 =	simm.s32 @p2 $0x1082  }
0x22: {  	[simem:s7], [sflag:s8] =	dma.local @!p0 [hbm:s6], $0xF7A  }
0x23: {  	s9 =	sor.u32 $0xD0000000, s2;
	s6 =	simm.s32 $0x108;
	_ =	swait.ge @!p0 [sflag:s8], $0x0  }
0x24: {  	s3 =	sadd.s32 $0x88, s3;
	s6 =	simm.s32 @!p1 $0x1082;
	[sflag:s4] =	ssyncset.s32 $0xFFFFF086  }
0x25: {  	[simem:s6], [sflag:s4] =	dma.local [hbm:s3], $0xF7A  }
0x26: {  	[smem:$0x3F9B] =	sst s1;
	(tag) =	ssettag s2;
	_ =	strace s9  }
0x27: {  	s1 =	sld [smem:$0x3FAB]  }
0x28: {  	s2 =	sld [smem:$0x3FAC]  }
0x29: {  	s4 =	sld [smem:$0x3FAE]  }
0x2a: {  	p0 =	seq.s32 s5, $0x0;
	s5 =	sld [smem:$0x3FAF]  }
0x2b: {  	s6 =	sld [smem:$0x3FB0]  }
0x2c: {  	s7 =	sld [smem:$0x3FB1]  }
0x2d: {  	s3 =	simm.s32 $0x108;
	s8 =	sld [smem:$0x3FB2]  }
0x2e: {  	s3 =	simm.s32 @!p0 $0x1082;
	s9 =	sld [smem:$0x3FB3]  }
0x2f: {  	lr =	sadd.s32 s0, s3;
	s0 =	sld [smem:$0x3FAA]  }
0x30: {  	s3 =	sld [smem:$0x3FAD]  }
0x31: {  	[smem:$0x3FB6] =	sst s10  }
0x32: {  	s10 =	sld [smem:$0x3FB4];
	_ =	sdelay $0x3  }
0x33: {  	p0 =	seq.s32 s10, $0x1;
	s10 =	sld [smem:$0x3FB6];
	_ =	sdelay $0x3  }
0x34: {  	[smem:$0x3FB6] =	sst s10  }
0x35: {  	s10 =	sld [smem:$0x3FB5];
	_ =	sdelay $0x3  }
0x36: {  	p1 =	seq.s32 s10, $0x1;
	s10 =	sld [smem:$0x3FB6];
	_ =	sdelay $0x3  }
0x37: {  	[smem:$0x3FB6] =	sst s10  }
0x38: {  	s10 =	sld [smem:$0x3FB7]  }
0x39: {  	_ = 	snop;
	(pc) =	sbr.ind lr, $3  }
0x3a: {  	_ = 	snop  }
0x3b: {  	_ = 	snop  }
0x3c: {  	p2 =	seq.s32 s10, $0x1;
	s10 =	sld [smem:$0x3FB6]  }
0x3d: {  	_ =	shalt  }
0x3e: {  	_ =	shalt  }
0x3f: {  	_ =	shalt  }
0x40: {  	_ =	shalt  }
0x41: {  	_ =	shalt  }
0x42: {  	_ =	shalt  }
0x43: {  	_ =	shalt  }
0x44: {  	_ =	shalt  }
0x45: {  	_ =	shalt  }
0x46: {  	_ =	shalt  }
0x47: {  	_ =	shalt  }
0x48: {  	_ =	shalt  }
0x49: {  	_ =	shalt  }
0x4a: {  	_ =	shalt  }
0x4b: {  	_ =	shalt  }
0x4c: {  	_ =	shalt  }
0x4d: {  	_ =	shalt  }
0x4e: {  	_ =	shalt  }
0x4f: {  	_ =	shalt  }
0x50: {  	_ =	shalt  }
0x51: {  	_ =	shalt  }
0x52: {  	_ =	shalt  }
0x53: {  	_ =	shalt  }
0x54: {  	_ =	shalt  }
0x55: {  	_ =	shalt  }
0x56: {  	_ =	shalt  }
0x57: {  	_ =	shalt  }
0x58: {  	_ =	shalt  }
0x59: {  	_ =	shalt  }
0x5a: {  	_ =	shalt  }
0x5b: {  	_ =	shalt  }
0x5c: {  	_ =	shalt  }
0x5d: {  	_ =	shalt  }
0x5e: {  	_ =	shalt  }
0x5f: {  	_ =	shalt  }
0x60: {  	_ =	shalt  }
0x61: {  	_ =	shalt  }
0x62: {  	_ =	shalt  }
0x63: {  	_ =	shalt  }
0x64: {  	_ =	shalt  }
0x65: {  	_ =	shalt  }
0x66: {  	_ =	shalt  }
0x67: {  	_ =	shalt  }
0x68: {  	_ =	shalt  }
0x69: {  	_ =	shalt  }
0x6a: {  	_ =	shalt  }
0x6b: {  	_ =	shalt  }
0x6c: {  	_ =	shalt  }
0x6d: {  	_ =	shalt  }
0x6e: {  	_ =	shalt  }
0x6f: {  	_ =	shalt  }
0x70: {  	_ =	shalt  }
0x71: {  	_ =	shalt  }
0x72: {  	_ =	shalt  }
0x73: {  	_ =	shalt  }
0x74: {  	_ =	shalt  }
0x75: {  	_ =	shalt  }
0x76: {  	_ =	shalt  }
0x77: {  	_ =	shalt  }
0x78: {  	_ =	shalt  }
0x79: {  	_ =	shalt  }
0x7a: {  	_ =	shalt  }
0x7b: {  	_ =	shalt  }
0x7c: {  	_ =	shalt  }
0x7d: {  	_ =	shalt  }
0x7e: {  	_ =	shalt  }
0x7f: {  	_ =	shalt  }
0x80: {  	_ =	shalt  }
0x81: {  	_ =	shalt  }
0x82: {  	_ =	shalt  }
0x83: {  	_ =	shalt  }
0x84: {  	_ =	shalt  }
0x85: {  	_ =	shalt  }
0x86: {  	_ =	shalt  }
0x87: {  	_ =	shalt  }
.Lfunc_end0:
.L_simem_size_0:
called_computation_lowered:
.L_overlay_start_0:
0x88: {  	s2 =	sld [smem:$0x3FD9]  }
0x89: {  	s3 =	sld [smem:$0x3FFE];
	_ =	sdelay $0x1  }
0x8a: {  	s1 =	srdreg.scid  }
0x8b: {  	s0 =	sand.u32 $0x1, s1  }
0x8c: {  	s17 =	sshll.u32 s0, $0xA;
	s2 =	sadd.s32 s3, s2  }
0x8d: {  	s2 =	sadd.s32 s2, s17  }
0x8e: {  	[smem:$0x3FC2] =	sst s2  }
0x8f: {  	_ = 	snop  }
0x90: {  	s2 =	sld [smem:$0x3FD0];
	(tm) =	ssettm $0x1  }
0x91: {  	s18 =	sld [smem:$0x3FFB];
	_ =	sdelay $0x3  }
0x92: {  	_ =	strace s18  }
0x93: {  	s3 =	sld [smem:$0x3FFC];
	_ =	sdelay $0x3  }
0x94: {  	_ =	strace s3  }
0x95: {  	s3 =	sld [smem:$0x3FFD];
	_ =	sdelay $0x3  }
0x96: {  	_ =	strace s3  }
0x97: {  	_ =	strace $0x8FFFFFFF  }
0x98: {  	s19 =	sld [smem:$0x3FDB];
	_ =	sdelay $0x1  }
0x99: {  	s4 =	simm.s32 $_scs_section_size  }
0x9a: {  	s5 =	simm.s32 $_size__tile_overlayer_lowered;
	s6 =	simm.s32 $_tile_overlayer_lowered  }
0x9b: {  	s22 =	simm.s32 $0x1BFF;
	s21 =	sshll.u32 s6, $0x1;
	s3 =	sadd.s32 s4, s19  }
0x9c: {  	s7 =	simm.s32 $0x0;
	s20 =	sshll.u32 s5, $0x1;
	s5 =	sadd.s32 s21, s3  }
0x9d: {  	[timem:s7], [sflag:s22] =	dma.local [hbm:s5], s20  }
0x9e: {  	_ =	swait.ge [sflag:s22], s20  }
0x9f: {  	s4 =	ssub.s32 $0x0, s20;
	[sflag:s22] =	ssyncset.done $0x0  }
0xa0: {  	[sflag:s22] =	ssyncadd.s32 s4;
	_ =	sdelay $0x1  }
0xa1: {  	s23 =	simm.s32 $0x1B8B  }
0xa2: {  	_ =	swait.ge [sflag:s23], $0x1  }
0xa3: {  	[sflag:s23] =	ssyncset.done $0x0  }
0xa4: {  	s25 =	simm.s32 $0x1B8E;
	s24 =	sld [smem:$0x3FFE];
	[sflag:s23] =	ssyncadd.s32 $0xFFFFFFFF  }
0xa5: {  	s26 =	simm.s32 $execute0_lowered;
	[smem:$0x3FD2] =	sst s25  }
0xa6: {  	s5 =	sshll.u32 s26, $0x1;
	_ =	strace $0x80000046;
	[dreg:$0x1] =	wrdreg $0xFFFFFFFF  }
0xa7: {  	s28 =	simm.s32 $_size_execute0_lowered;
	s3 =	sadd.s32 s3, s5;
	[dreg:$0x0] =	wrdreg $0x0  }
0xa8: {  	s5 =	sshll.u32 s28, $0x1;
	[dreg:$0x2] =	wrdreg s3  }
0xa9: {  	[dreg:$0x3] =	wrdreg s5  }
0xaa: {  	[dreg:$0x4] =	wrdreg $0xC0  }
0xab: {  	_ =	task [dreg:s7], $0x5FFFF  }
0xac: {  	[dreg:$0x1] =	wrdreg $0xFFFFFFFF  }
0xad: {  	[dreg:$0x0] =	wrdreg $0x60  }
0xae: {  	[dreg:$0x2] =	wrdreg s24  }
0xaf: {  	[dreg:$0x3] =	wrdreg s2  }
0xb0: {  	[dreg:$0x4] =	wrdreg $0x46500  }
0xb1: {  	[dreg:$0x5] =	wrdreg $0x9  }
0xb2: {  	_ =	task.clear_ibuf [dreg:s7], $0x6FFFF;
	_ =	strace $0x90000046  }
0xb3: {  	s29 =	simm.s32 $0x9;
	_ =	strace $0x80000048  }
0xb4: {  	_ =	swait.ge [sflag:s29], $0x1  }
0xb5: {  	[sflag:s29] =	ssyncadd.s32 $0xFFFFFFFF  }
0xb6: {  	_ =	strace $0x90000048  }
0xb7: {  	_ =	sfence  }
0xb8: {  	s30 =	sld [smem:$0x0];
	_ =	sdelay $0x2  }
0xb9: {  	s31 =	sshll.u32 s1, $0xD;
	s1 =	sshrl.u32 s1, $0x2  }
0xba: {  	s3 =	sand.u32 $0x4000, s31;
	s1 =	sadd.s32 s1, s30  }
0xbb: {  	s0 =	sor.u32 s3, s0;
	s1 =	sshll.u32 s1, $0x11  }
0xbc: {  	s0 =	sor.u32 s1, s0  }
0xbd: {  	s0 =	sadd.s32 $0x8F2B, s0  }
0xbe: {  	[sflag:s0] =	ssyncadd.remote.s32 $0x1  }
0xbf: {  	_ =	sfence.sel $0xFFFF  }
0xc0: {  	[dreg:$0x0] =	wrdreg $0xFFFFFFFF;
	(pc) =	sbr.abs _section_cstart, $3  }
0xc1: {  	[dreg:$0x1] =	wrdreg $0xFFFFFFFF  }
0xc2: {  	_ =	task.clear_ibuf [dreg:s7], $0x2FFFF;
	_ =	strace $0x9FFFFFFF  }
0xc3: {  	(tm) =	ssettm $0x7FFFFFFF  }
tec
execute0_lowered:
.L_overlay_start_1:
0x0: {  	(tag) =	ssettag $0x1  }
0x1: {  	s20 =	rddreg [dreg:$0x0]  }
0x2: {  	s4 =	rddreg [dreg:$0x1];
	s1 =	stileid.u32  }
0x3: {  	s2 =	rddreg [dreg:$0x2];
	s21 =	smul.u32 $0x1400, s1  }
0x4: {  	s0 =	rddreg [dreg:$0x3];
	s3 =	simm.s32 $0x0;
	s8 =	srdreg.scid  }
0x5: {  	[smem:$0x7FF] =	sst s3;
	s29 =	sshll.u32 s1, $0x6;
	s5 =	sshrl.u32 s21, $0x3  }
0x6: {  	_ =	strace $0x80000047;
	s6 =	sadd.s32 s21, s2;
	s4 =	sadd.s32 s4, s5  }
0x7: {  	s5 =	sor.u32 $0x1C01, s29;
	s7 =	sshrl.u32 s6, $0x3;
	s6 =	simm.s32 $0x1  }
0x8: {  	[spmem:s7], [sflag:s5] =	dma.local [hbm:s4], $0x280  }
0x9: {  	s22 =	sand.u32 $0x1, s8;
	s9 =	sshll.u32 s1, $0x1;
	_ =	swait.ge [sflag:s6], $0x280  }
0xa: {  	s8 =	sadd.s32 $0x16400, s20;
	s9 =	sor.u32 s22, s9;
	[sflag:s6] =	ssyncset.done $0x0  }
0xb: {  	s10 =	smul.u32 $0x2710, s9;
	s9 =	simm.s32 $0x2710;
	[sflag:s6] =	ssyncadd.s32 $0xFFFFFD80  }
0xc: {  	[tilespmem:s9], [sflag:$0x1] =	stream.linear.gather [hbm4b:s8+s3], $0x1F40, $0x38;
	[tilespmem:$0x5A50] =	vst v63  }
0xd: {  	s10 =	sshrl.u32 s10, $0x3;
	_ =	swait.ge [sflag:s6], $0x1F40  }
0xe: {  	s10 =	sadd.s32 s20, s10;
	[sflag:s6] =	ssyncset.done $0x0  }
0xf: {  	s10 =	sadd.s32 $0xC640, s10;
	[sflag:s6] =	ssyncadd.s32 $0xFFFFE0C0  }
0x10: {  	[tilespmem:s3], [sflag:$0x1] =	stream.linear.gather [hbm4b:s10+s3], $0x2710, $0x38;
	[tilespmem:$0x5A50] =	vst v63  }
0x11: {  	_ =	swait.ge [sflag:s6], $0x2710  }
0x12: {  	[sflag:s6] =	ssyncset.done $0x0  }
0x13: {  	[sflag:s6] =	ssyncadd.s32 $0xFFFFD8F0  }
0x14: {  	s11 =	simm.s32 $0x3E8;
	[bflag:$0x0] =	sbarrier.arrive $0xFFFF  }
0x15: {  	[spmem:s2] =	stream.indirect.scatter.add.f32 [tilespmem:s9], [sflag:$0x1], $0x8, s3, s11, $0xb8;
	[tilespmem:$0x5A50] =	vst v63  }
0x16: {  	_ =	swait.ge [sflag:s6], $0x1F40  }
0x17: {  	[sflag:s6] =	ssyncset.done $0x0  }
0x18: {  	[sflag:s6] =	ssyncadd.s32 $0xFFFFE0C0  }
0x19: {  	[spmem:s2] =	stream.indirect.scatter.add.f32 [tilespmem:s9], [sflag:$0x1], $0x8, s11, s11, $0xb8;
	[tilespmem:$0x5A50] =	vst v63  }
0x1a: {  	_ =	swait.ge [sflag:s6], $0x1F40  }
0x1b: {  	[sflag:s6] =	ssyncset.done $0x0  }
0x1c: {  	s12 =	simm.s32 $0x7D0;
	[sflag:s6] =	ssyncadd.s32 $0xFFFFE0C0  }
0x1d: {  	[spmem:s2] =	stream.indirect.scatter.add.f32 [tilespmem:s9], [sflag:$0x1], $0x8, s12, s11, $0xb8;
	[tilespmem:$0x5A50] =	vst v63  }
0x1e: {  	_ =	swait.ge [sflag:s6], $0x1F40  }
0x1f: {  	[sflag:s6] =	ssyncset.done $0x0  }
0x20: {  	s13 =	simm.s32 $0xBB8;
	[sflag:s6] =	ssyncadd.s32 $0xFFFFE0C0  }
0x21: {  	[spmem:s2] =	stream.indirect.scatter.add.f32 [tilespmem:s9], [sflag:$0x1], $0x8, s13, s11, $0xb8;
	[tilespmem:$0x5A50] =	vst v63  }
0x22: {  	_ =	swait.ge [sflag:s6], $0x1F40  }
0x23: {  	[sflag:s6] =	ssyncset.done $0x0  }
0x24: {  	s14 =	simm.s32 $0xFA0;
	[sflag:s6] =	ssyncadd.s32 $0xFFFFE0C0  }
0x25: {  	[spmem:s2] =	stream.indirect.scatter.add.f32 [tilespmem:s9], [sflag:$0x1], $0x8, s14, s11, $0xb8;
	[tilespmem:$0x5A50] =	vst v63  }
0x26: {  	_ =	swait.ge [sflag:s6], $0x1F40  }
0x27: {  	[sflag:s6] =	ssyncset.done $0x0  }
0x28: {  	s15 =	simm.s32 $0x1388;
	[sflag:s6] =	ssyncadd.s32 $0xFFFFE0C0  }
0x29: {  	[spmem:s2] =	stream.indirect.scatter.add.f32 [tilespmem:s9], [sflag:$0x1], $0x8, s15, s11, $0xb8;
	[tilespmem:$0x5A50] =	vst v63  }
0x2a: {  	_ =	swait.ge [sflag:s6], $0x1F40  }
0x2b: {  	[sflag:s6] =	ssyncset.done $0x0  }
0x2c: {  	s16 =	simm.s32 $0x1770;
	[sflag:s6] =	ssyncadd.s32 $0xFFFFE0C0  }
0x2d: {  	[spmem:s2] =	stream.indirect.scatter.add.f32 [tilespmem:s9], [sflag:$0x1], $0x8, s16, s11, $0xb8;
	[tilespmem:$0x5A50] =	vst v63  }
0x2e: {  	_ =	swait.ge [sflag:s6], $0x1F40  }
0x2f: {  	[sflag:s6] =	ssyncset.done $0x0  }
0x30: {  	s17 =	simm.s32 $0x1B58;
	[sflag:s6] =	ssyncadd.s32 $0xFFFFE0C0  }
0x31: {  	[spmem:s2] =	stream.indirect.scatter.add.f32 [tilespmem:s9], [sflag:$0x1], $0x8, s17, s11, $0xb8;
	[tilespmem:$0x5A50] =	vst v63  }
0x32: {  	_ =	swait.ge [sflag:s6], $0x1F40  }
0x33: {  	[sflag:s6] =	ssyncset.done $0x0  }
0x34: {  	s18 =	simm.s32 $0x1F40;
	s23 =	smul.u32 $0x14000, s22;
	[sflag:s6] =	ssyncadd.s32 $0xFFFFE0C0  }
0x35: {  	[spmem:s2] =	stream.indirect.scatter.add.f32 [tilespmem:s9], [sflag:$0x1], $0x8, s18, s11, $0xb8;
	[tilespmem:$0x5A50] =	vst v63  }
0x36: {  	s19 =	simm.s32 $0x2328;
	s22 =	ssub.s32 $0x2, s22;
	_ =	swait.ge [sflag:s6], $0x1F40  }
0x37: {  	s30 =	sshrl.u32 s22, $0x1;
	s21 =	sadd.s32 s21, s23;
	[sflag:s6] =	ssyncset.done $0x0  }
0x38: {  	s31 =	ssub.s32 s22, s30;
	s21 =	sshrl.u32 s21, $0x3;
	[sflag:s6] =	ssyncadd.s32 $0xFFFFE0C0  }
0x39: {  	[spmem:s2] =	stream.indirect.scatter.add.f32 [tilespmem:s9], [sflag:$0x1], $0x8, s19, s11, $0xb8;
	[tilespmem:$0x5A50] =	vst v63  }
0x3a: {  	s20 =	sadd.s32 s21, s20;
	s21 =	smax.u32 s31, $0x1;
	_ =	swait.ge [sflag:s6], $0x1F40  }
0x3b: {  	p0 =	sne.s32 s21, $0x1;
	[sflag:s6] =	ssyncset.done $0x0  }
.Ltmp0:
0x3c: {  	[sflag:s6] =	ssyncadd.s32 $0xFFFFE0C0;
	(pc) =	sbr.rel @!p0 .LBB2_2-.Ltmp0, $4  }
0x3d: {  	s20 =	sadd.s32 $0x16800, s20;
	[bflag:$0x0] =	sbarrier.arrive $0xFFFF  }
0x3e: {  	[hbm:s20], [sflag:s5] =	dma.local [spmem:s7], $0x280  }
0x3f: {  	_ =	swait.ge [sflag:s6], $0x280  }
0x40: {  	s21 =	sadd.s32 $0xFFFFFFFF, s21;
	[sflag:s6] =	ssyncset.done $0x0  }
.LBB2_1:
0x41: {  	p0 =	sne.s32 s21, $0x1;
	s21 =	sadd.s32 $0xFFFFFFFF, s21;
	[sflag:s6] =	ssyncadd.s32 $0xFFFFFD80  }
0x42: {  	[spmem:s7], [sflag:s5] =	dma.local [hbm:s4], $0x280  }
0x43: {  	_ =	swait.ge [sflag:s6], $0x280  }
0x44: {  	[sflag:s6] =	ssyncset.done $0x0  }
0x45: {  	[sflag:s6] =	ssyncadd.s32 $0xFFFFFD80  }
0x46: {  	[tilespmem:s9], [sflag:$0x1] =	stream.linear.gather [hbm4b:s8+s3], $0x1F40, $0x38;
	[tilespmem:$0x5A50] =	vst v63  }
0x47: {  	_ =	swait.ge [sflag:s6], $0x1F40  }
0x48: {  	[sflag:s6] =	ssyncset.done $0x0  }
0x49: {  	[sflag:s6] =	ssyncadd.s32 $0xFFFFE0C0  }
0x4a: {  	[tilespmem:s3], [sflag:$0x1] =	stream.linear.gather [hbm4b:s10+s3], $0x2710, $0x38;
	[tilespmem:$0x5A50] =	vst v63  }
0x4b: {  	_ =	swait.ge [sflag:s6], $0x2710  }
0x4c: {  	[sflag:s6] =	ssyncset.done $0x0  }
0x4d: {  	[sflag:s6] =	ssyncadd.s32 $0xFFFFD8F0  }
0x4e: {  	[bflag:$0x0] =	sbarrier.arrive $0xFFFF  }
0x4f: {  	[spmem:s2] =	stream.indirect.scatter.add.f32 [tilespmem:s9], [sflag:$0x1], $0x8, s3, s11, $0xb8;
	[tilespmem:$0x5A50] =	vst v63  }
0x50: {  	_ =	swait.ge [sflag:s6], $0x1F40  }
0x51: {  	[sflag:s6] =	ssyncset.done $0x0  }
0x52: {  	[sflag:s6] =	ssyncadd.s32 $0xFFFFE0C0  }
0x53: {  	[spmem:s2] =	stream.indirect.scatter.add.f32 [tilespmem:s9], [sflag:$0x1], $0x8, s11, s11, $0xb8;
	[tilespmem:$0x5A50] =	vst v63  }
0x54: {  	_ =	swait.ge [sflag:s6], $0x1F40  }
0x55: {  	[sflag:s6] =	ssyncset.done $0x0  }
0x56: {  	[sflag:s6] =	ssyncadd.s32 $0xFFFFE0C0  }
0x57: {  	[spmem:s2] =	stream.indirect.scatter.add.f32 [tilespmem:s9], [sflag:$0x1], $0x8, s12, s11, $0xb8;
	[tilespmem:$0x5A50] =	vst v63  }
0x58: {  	_ =	swait.ge [sflag:s6], $0x1F40  }
0x59: {  	[sflag:s6] =	ssyncset.done $0x0  }
0x5a: {  	[sflag:s6] =	ssyncadd.s32 $0xFFFFE0C0  }
0x5b: {  	[spmem:s2] =	stream.indirect.scatter.add.f32 [tilespmem:s9], [sflag:$0x1], $0x8, s13, s11, $0xb8;
	[tilespmem:$0x5A50] =	vst v63  }
0x5c: {  	_ =	swait.ge [sflag:s6], $0x1F40  }
0x5d: {  	[sflag:s6] =	ssyncset.done $0x0  }
0x5e: {  	[sflag:s6] =	ssyncadd.s32 $0xFFFFE0C0  }
0x5f: {  	[spmem:s2] =	stream.indirect.scatter.add.f32 [tilespmem:s9], [sflag:$0x1], $0x8, s14, s11, $0xb8;
	[tilespmem:$0x5A50] =	vst v63  }
0x60: {  	_ =	swait.ge [sflag:s6], $0x1F40  }
0x61: {  	[sflag:s6] =	ssyncset.done $0x0  }
0x62: {  	[sflag:s6] =	ssyncadd.s32 $0xFFFFE0C0  }
0x63: {  	[spmem:s2] =	stream.indirect.scatter.add.f32 [tilespmem:s9], [sflag:$0x1], $0x8, s15, s11, $0xb8;
	[tilespmem:$0x5A50] =	vst v63  }
0x64: {  	_ =	swait.ge [sflag:s6], $0x1F40  }
0x65: {  	[sflag:s6] =	ssyncset.done $0x0  }
0x66: {  	[sflag:s6] =	ssyncadd.s32 $0xFFFFE0C0  }
0x67: {  	[spmem:s2] =	stream.indirect.scatter.add.f32 [tilespmem:s9], [sflag:$0x1], $0x8, s16, s11, $0xb8;
	[tilespmem:$0x5A50] =	vst v63  }
0x68: {  	_ =	swait.ge [sflag:s6], $0x1F40  }
0x69: {  	[sflag:s6] =	ssyncset.done $0x0  }
0x6a: {  	[sflag:s6] =	ssyncadd.s32 $0xFFFFE0C0  }
0x6b: {  	[spmem:s2] =	stream.indirect.scatter.add.f32 [tilespmem:s9], [sflag:$0x1], $0x8, s17, s11, $0xb8;
	[tilespmem:$0x5A50] =	vst v63  }
0x6c: {  	_ =	swait.ge [sflag:s6], $0x1F40  }
0x6d: {  	[sflag:s6] =	ssyncset.done $0x0  }
0x6e: {  	[sflag:s6] =	ssyncadd.s32 $0xFFFFE0C0  }
0x6f: {  	[spmem:s2] =	stream.indirect.scatter.add.f32 [tilespmem:s9], [sflag:$0x1], $0x8, s18, s11, $0xb8;
	[tilespmem:$0x5A50] =	vst v63  }
0x70: {  	_ =	swait.ge [sflag:s6], $0x1F40  }
0x71: {  	[sflag:s6] =	ssyncset.done $0x0  }
0x72: {  	[sflag:s6] =	ssyncadd.s32 $0xFFFFE0C0  }
0x73: {  	[spmem:s2] =	stream.indirect.scatter.add.f32 [tilespmem:s9], [sflag:$0x1], $0x8, s19, s11, $0xb8;
	[tilespmem:$0x5A50] =	vst v63  }
0x74: {  	_ =	swait.ge [sflag:s6], $0x1F40  }
0x75: {  	[sflag:s6] =	ssyncset.done $0x0  }
.Ltmp1:
0x76: {  	[sflag:s6] =	ssyncadd.s32 $0xFFFFE0C0;
	(pc) =	sbr.rel @p0 .LBB2_1-.Ltmp1, $4  }
0x77: {  	[bflag:$0x0] =	sbarrier.arrive $0xFFFF  }
0x78: {  	[hbm:s20], [sflag:s5] =	dma.local [spmem:s7], $0x280  }
0x79: {  	_ =	swait.ge [sflag:s6], $0x280  }
0x7a: {  	[sflag:s6] =	ssyncset.done $0x0  }
.LBB2_2:
0x7b: {  	[sflag:s6] =	ssyncadd.s32 $0xFFFFFD80  }
0x7c: {  	_ =	sfence.sel $0x180000  }
0x7d: {  	[bflag:$0x0] =	sbarrier.arrive $0xFFFF  }
0x7e: {  	p0 =	sne.s32 s1, $0x0;
	_ =	strace $0x90000047  }
0x7f: {  	s0 =	sadd.s32 @!p0 $0x100000, s0;
	[bflag:$0x2] =	sbarrier.arrive $0xFFFF  }
0x80: {  	[sflag:s0] =	ssyncadd.tile.s32 @!p0 $0x1;
	_ =	shalt  }
.Lfunc_end2:
_tile_overlayer_lowered:
.L_overlay_start_2:
0x81: {  	(tag) =	ssettag $0x2  }
0x82: {  	s0 =	rddreg [dreg:$0x0];
	s2 =	stileid.u32  }
0x83: {  	s1 =	rddreg [dreg:$0x1];
	p0 =	sne.s32 s2, $0x0  }
0x84: {  	s3 =	rddreg [dreg:$0x2];
	[bflag:$0x3] =	sbarrier.arrive $0xFFFF;
	s2 =	simm.s32 @!p0 $0x1C01  }
0x85: {  	[timem:s3], [sflag:s2] =	dma.local @!p0 [hbm:s0], s1  }
0x86: {  	s0 =	simm.s32 @!p0 $0x1  }
0x87: {  	_ =	swait.ge @!p0 [sflag:s0], s1  }
0x88: {  	s1 =	ssub.s32 @!p0 $0x0, s1;
	[sflag:s0] =	ssyncset.done @!p0 $0x0  }
0x89: {  	[sflag:s0] =	ssyncadd.s32 @!p0 s1  }
0x8a: {  	[bflag:$0x3] =	sbarrier.arrive $0xFFFF  }
0x8b: {  	_ =	shalt  }

</sc_bundles>
